<compile_context>
chip_gen: v7x
topology: tpu7x:2x2x1
jax: 0.10.2.dev20260603
libtpu: 0.0.44.dev20260713+nightly
codegen_flags: <defaults>
</compile_context>

<pallas_src>
import functools

import functools

import jax
import jax.numpy as jnp
import numpy as np
from jax import lax
from jax.experimental import pallas as pl
from jax.experimental.pallas import tpu as pltpu
from jax.experimental.pallas import tpu_sc as plsc

jax.config.update("jax_default_matmul_precision", "highest")

_NSTATES = 65536
_SHOTS = 8192
_NW = 16
_NB = 4

_KS0 = 0
_KS1 = 42
_KS2 = (0x1BD11BDA ^ _KS0 ^ _KS1) & 0xFFFFFFFF
_TINY = float(np.finfo(np.float32).tiny)



def _circuit_body(coef_ref, meta_ref, out_ref):
    ri = jax.lax.broadcasted_iota(jnp.int32, (256, 256), 0)
    ci = jax.lax.broadcasted_iota(jnp.int32, (256, 256), 1)
    re0 = jnp.where((ri == 0) & (ci == 0), 1.0, 0.0).astype(jnp.float32)
    im0 = jnp.zeros((256, 256), jnp.float32)

    def body(g, carry):
        re, im = carry
        u00r = coef_ref[g, 0]
        u00i = coef_ref[g, 1]
        u01r = coef_ref[g, 2]
        u01i = coef_ref[g, 3]
        u10r = coef_ref[g, 4]
        u10i = coef_ref[g, 5]
        u11r = coef_ref[g, 6]
        u11i = coef_ref[g, 7]
        srow = meta_ref[g, 0]
        scol = meta_ref[g, 1]
        crm = meta_ref[g, 2]
        ccm = meta_ref[g, 3]
        uncond = meta_ref[g, 4]
        p_r = (jnp.bitwise_xor(ri, srow) == ci).astype(jnp.float32)
        p_c = (jnp.bitwise_xor(ri, scol) == ci).astype(jnp.float32)
        hp = jax.lax.Precision.HIGHEST
        pre = jnp.dot(p_r, re, preferred_element_type=jnp.float32, precision=hp)
        pim = jnp.dot(p_r, im, preferred_element_type=jnp.float32, precision=hp)
        pre = jnp.dot(pre, p_c, preferred_element_type=jnp.float32, precision=hp)
        pim = jnp.dot(pim, p_c, preferred_element_type=jnp.float32, precision=hp)
        tb = (jnp.bitwise_and(ri, srow) | jnp.bitwise_and(ci, scol)) != 0
        cxr = jnp.where(tb, u11r, u00r)
        cxi = jnp.where(tb, u11i, u00i)
        cpr = jnp.where(tb, u10r, u01r)
        cpi = jnp.where(tb, u10i, u01i)
        nre = cxr * re - cxi * im + cpr * pre - cpi * pim
        nim = cxr * im + cxi * re + cpr * pim + cpi * pre
        app = ((jnp.bitwise_and(ri, crm) | jnp.bitwise_and(ci, ccm)) + uncond) != 0
        re = jnp.where(app, nre, re)
        im = jnp.where(app, nim, im)
        return re, im

    re, im = jax.lax.fori_loop(0, _NB * 2 * _NW, body, (re0, im0))
    amp = jnp.sqrt(re * re + im * im)
    prob = amp * amp
    out_ref[...] = jnp.log(prob + 1e-12)


def _circuit_call(coefs, meta):
    return pl.pallas_call(
        _circuit_body,
        out_shape=jax.ShapeDtypeStruct((256, 256), jnp.float32),
        in_specs=[
            pl.BlockSpec(memory_space=pltpu.SMEM),
            pl.BlockSpec(memory_space=pltpu.SMEM),
        ],
        out_specs=pl.BlockSpec(memory_space=pltpu.VMEM),
    )(coefs, meta)


def _build_gates(u3_params, cu3_params):
    def entries(p):
        th, ph, lam = p[..., 0], p[..., 1], p[..., 2]
        ct = jnp.cos(th / 2.0).astype(jnp.complex64)
        st = jnp.sin(th / 2.0).astype(jnp.complex64)
        e_l = jnp.exp(1j * lam.astype(jnp.complex64))
        e_p = jnp.exp(1j * ph.astype(jnp.complex64))
        u00 = ct
        u01 = -e_l * st
        u10 = e_p * st
        u11 = e_p * e_l * ct
        return jnp.stack(
            [u00.real, u00.imag, u01.real, u01.imag,
             u10.real, u10.imag, u11.real, u11.imag], axis=-1)

    u3e = entries(u3_params)
    cu3e = entries(cu3_params)
    coefs = jnp.concatenate([u3e, cu3e], axis=1).reshape(_NB * 2 * _NW, 8)
    coefs = coefs.astype(jnp.float32)

    meta = np.zeros((_NB * 2 * _NW, 5), np.int32)
    g = 0
    for _ in range(_NB):
        for w in range(_NW):
            if w < 8:
                meta[g] = (1 << (7 - w), 0, 0, 0, 1)
            else:
                meta[g] = (0, 1 << (15 - w), 0, 0, 1)
            g += 1
        for i in range(_NW):
            c, t = i, (i + 1) % _NW
            srow = (1 << (7 - t)) if t < 8 else 0
            scol = 0 if t < 8 else (1 << (15 - t))
            crm = (1 << (7 - c)) if c < 8 else 0
            ccm = 0 if c < 8 else (1 << (15 - c))
            meta[g] = (srow, scol, crm, ccm, 0)
            g += 1
    return coefs, jnp.asarray(meta)



_SROWS = 64


def _tf_round(x0, x1, r):
    x0 = x0 + x1
    x1 = ((x1 << jnp.uint32(r)) | (x1 >> jnp.uint32(32 - r))) ^ x0
    return x0, x1


def _threefry_bits(x1):
    ks0 = jnp.uint32(_KS0)
    ks1 = jnp.uint32(_KS1)
    ks2 = jnp.uint32(_KS2)
    x0 = x1
    x1 = ((x1 << jnp.uint32(13)) | (x1 >> jnp.uint32(19))) ^ x0
    for r in (15, 26, 6):
        x0, x1 = _tf_round(x0, x1, r)
    x0 = x0 + ks1
    x1 = x1 + ks2 + jnp.uint32(1)
    for r in (17, 29, 16, 24):
        x0, x1 = _tf_round(x0, x1, r)
    x0 = x0 + ks2
    x1 = x1 + ks0 + jnp.uint32(2)
    for r in (13, 15, 26, 6):
        x0, x1 = _tf_round(x0, x1, r)
    x0 = x0 + ks0
    x1 = x1 + ks1 + jnp.uint32(3)
    for r in (17, 29, 16, 24):
        x0, x1 = _tf_round(x0, x1, r)
    x0 = x0 + ks1
    x1 = x1 + ks2 + jnp.uint32(4)
    for r in (13, 15, 26, 6):
        x0, x1 = _tf_round(x0, x1, r)
    x0 = x0 + ks2
    x1 = x1 + ks0 + jnp.uint32(5)
    return x0 ^ x1


def _make_sample_body(srows, unroll=4):
    nsteps = _NSTATES // (128 * unroll)

    def _sample_body(lg_ref, out_ref):
        pid = pl.program_id(0)
        rows = jax.lax.broadcasted_iota(jnp.int32, (srows, 128), 0)
        lanes = jax.lax.broadcasted_iota(jnp.int32, (srows, 128), 1)
        nbase = ((pid * srows + rows) * _NSTATES + lanes + _KS1).astype(jnp.uint32)
        mx0 = jnp.full((srows, 128), -jnp.inf, jnp.float32)
        ix0 = jnp.zeros((srows, 128), jnp.int32)
        tiny = jnp.float32(_TINY)

        def body(jc, carry):
            mx, ix = carry
            vals = []
            for k in range(unroll):
                j0 = jc * (128 * unroll) + k * 128
                bits = _threefry_bits(nbase + j0.astype(jnp.uint32))
                fb = (bits >> jnp.uint32(9)) | jnp.uint32(0x3F800000)
                f = jax.lax.bitcast_convert_type(fb, jnp.float32) - jnp.float32(1.0)
                u = jnp.maximum(f, tiny)
                gum = -jnp.log(-jnp.log(u))
                val = gum + lg_ref[pl.ds(jc * unroll + k, 1), :]
                vals.append((val, j0 + lanes))
            while len(vals) > 1:
                nxt = []
                for (va, ja), (vb, jb) in zip(vals[0::2], vals[1::2]):
                    w = vb > va
                    nxt.append((jnp.where(w, vb, va), jnp.where(w, jb, ja)))
                vals = nxt
            val, jj = vals[0]
            upd = val > mx
            mx = jnp.where(upd, val, mx)
            ix = jnp.where(upd, jj, ix)
            return mx, ix

        mx, ix = jax.lax.fori_loop(0, nsteps, body, (mx0, ix0))
        rowmax = jnp.max(mx, axis=1, keepdims=True)
        cand = jnp.where(mx == rowmax, ix, _NSTATES)
        winner = jnp.min(cand, axis=1, keepdims=True)
        out_ref[...] = jnp.broadcast_to(winner, (srows, 128))

    return _sample_body


def _sample_call(lg):
    grid = _SHOTS // _SROWS
    return pl.pallas_call(
        _make_sample_body(_SROWS),
        grid=(grid,),
        out_shape=jax.ShapeDtypeStruct((_SHOTS, 128), jnp.int32),
        in_specs=[pl.BlockSpec((_NSTATES // 128, 128), lambda i: (0, 0))],
        out_specs=pl.BlockSpec((_SROWS, 128), lambda i: (i, 0)),
        compiler_params=pltpu.CompilerParams(
            dimension_semantics=(pltpu.PARALLEL,)),
    )(lg)



_SC_NC = 2
_SC_NS = 16
_SC_CHUNKS = _SHOTS // (_SC_NC * _SC_NS * 128)


_SC_ROWS = _SHOTS // (_SC_NC * 128)


def _hist_body(smp_hbm, out_hbm, idx_v, ones_v, buf_v, shared):
    c = lax.axis_index("c")
    sid = lax.axis_index("s")
    seg = _NSTATES // _SC_NS

    def zz(i, _):
        buf_v[pl.ds(i * 16, 16)] = jnp.zeros((16,), jnp.float32)
        return 0

    jax.lax.fori_loop(0, seg // 16, zz, 0)
    pltpu.sync_copy(buf_v, shared.at[pl.ds(sid * seg, seg)])
    plsc.subcore_barrier()

    @pl.when(sid == 0)
    def _():
        def oo(i, _):
            ones_v[pl.ds(i * 16, 16)] = jnp.ones((16,), jnp.float32)
            return 0

        jax.lax.fori_loop(0, 128 // 16, oo, 0)
        pltpu.sync_copy(smp_hbm.at[c], idx_v)

        def sc(j, _):
            pltpu.sync_copy(ones_v, shared.at[idx_v.at[j]], add=True)
            return 0

        jax.lax.fori_loop(0, _SC_ROWS, sc, 0)

    plsc.subcore_barrier()
    pltpu.sync_copy(shared.at[pl.ds(sid * seg, seg)], buf_v)
    pltpu.sync_copy(buf_v, out_hbm.at[c, pl.ds(sid * seg, seg)])


def _hist_call(smp32):
    mesh = plsc.VectorSubcoreMesh(core_axis_name="c", subcore_axis_name="s")
    return pl.kernel(
        _hist_body,
        out_type=jax.ShapeDtypeStruct((_SC_NC, _NSTATES), jnp.float32),
        mesh=mesh,
        scratch_types=[
            pltpu.VMEM((_SC_ROWS, 128), jnp.int32),
            pltpu.VMEM((128,), jnp.float32),
            pltpu.VMEM((_NSTATES // _SC_NS,), jnp.float32),
            pltpu.VMEM_SHARED((_NSTATES,), jnp.float32),
        ],
    )(smp32)



def _fin_body(hist_ref, fcw_ref, fcb_ref, out_ref):
    counts = hist_ref[0] + hist_ref[1]
    xq = counts * jnp.float32(1.0 / _SHOTS)
    b = jnp.float32(0.8) * jnp.tanh(jnp.float32(0.1 * 2.0 ** (_NW - 1)) * xq)
    xqv = jnp.exp(jnp.float32(0.3) * jnp.log(b))
    mu = jnp.sum(xqv) * jnp.float32(1.0 / _NSTATES)
    xqc = xqv - mu
    out_ref[...] = jnp.zeros((16, 128), jnp.float32)
    for i in range(10):
        y = jnp.sum(fcw_ref[i] * xqc) + fcb_ref[i]
        out_ref[i, :] = jnp.full((128,), y, jnp.float32)


def _fin_call(hist, fc_w3, fc_b):
    return pl.pallas_call(
        _fin_body,
        out_shape=jax.ShapeDtypeStruct((16, 128), jnp.float32),
        in_specs=[
            pl.BlockSpec(memory_space=pltpu.VMEM),
            pl.BlockSpec(memory_space=pltpu.VMEM),
            pl.BlockSpec(memory_space=pltpu.SMEM),
        ],
        out_specs=pl.BlockSpec(memory_space=pltpu.VMEM),
    )(hist, fc_w3, fc_b)


def kernel(x, u3_params, cu3_params, fc_W, fc_b):
    coefs, meta = _build_gates(u3_params, cu3_params)
    lg = _circuit_call(coefs, meta).reshape(_NSTATES // 128, 128)
    smp = _sample_call(lg)
    smp32 = smp[:, 0].reshape(_SC_NC, _SC_ROWS, 128)
    hist = _hist_call(smp32)
    out3 = _fin_call(hist.reshape(_SC_NC, 512, 128), fc_W.reshape(10, 512, 128),
                     fc_b)
    y = out3[:10, 0]
    return jnp.broadcast_to(y[None, :], (x.shape[0], 10))

# --- scband reference (transcript-rebuilt; emitter-appended) ---
"""Pipeline reference for scband-lew-hybrid-nn-53120155517552 (READ-ONLY COPY).

The authoritative reference and input builder live on the scoring server;
editing this copy changes nothing except your own understanding.
"""

import jax, jax.numpy as jnp
import numpy as np

N_STATES = 65536
N_WIRES = 16
N_BLOCKS = 4
SHOTS = 8192


def _u3(p):
    th, ph, lam = p[0], p[1], p[2]
    ct = jnp.cos(th / 2.0).astype(jnp.complex64)
    st = jnp.sin(th / 2.0).astype(jnp.complex64)
    e_l = jnp.exp(1j * lam).astype(jnp.complex64)
    e_p = jnp.exp(1j * ph).astype(jnp.complex64)
    row0 = jnp.stack([ct, -e_l * st])
    row1 = jnp.stack([e_p * st, e_p * e_l * ct])
    return jnp.stack([row0, row1])


def _apply_1q(state, U, w):
    state = jnp.tensordot(U, state, axes=((1,), (w,)))
    return jnp.moveaxis(state, 0, w)


def _apply_cu3(state, U, c, t):
    I = jnp.eye(2, dtype=U.dtype)
    Z = jnp.zeros((2, 2), dtype=U.dtype)
    M = jnp.block([[I, Z], [Z, U]]).reshape(2, 2, 2, 2)
    state = jnp.tensordot(M, state, axes=((2, 3), (c, t)))
    return jnp.moveaxis(state, (0, 1), (c, t))


def _circuit(u3_params, cu3_params):
    state = jnp.zeros((2,) * N_WIRES, dtype=jnp.complex64).at[(0,) * N_WIRES].set(1.0)
    for k in range(N_BLOCKS):
        for w in range(N_WIRES):
            state = _apply_1q(state, _u3(u3_params[k, w]), w)
        for i in range(N_WIRES):
            c, t = i, (i + 1) % N_WIRES
            state = _apply_cu3(state, _u3(cu3_params[k, i]), c, t)
    return state.reshape(-1)


def setup_inputs(seed: int = 0) -> dict:
    key = jax.random.key(seed)
    ks = jax.random.split(key, 5)
    x = jax.random.normal(ks[0], (128, 256), dtype=jnp.float32)
    u3_params = jax.random.uniform(ks[1], (N_BLOCKS, N_WIRES, 3), minval=0.0, maxval=2.0 * np.pi, dtype=jnp.float32)
    cu3_params = jax.random.uniform(ks[2], (N_BLOCKS, N_WIRES, 3), minval=0.0, maxval=2.0 * np.pi, dtype=jnp.float32)
    fc_W = jax.random.normal(ks[3], (10, N_STATES), dtype=jnp.float32) * (1.0 / np.sqrt(N_STATES))
    fc_b = jnp.zeros((10,), dtype=jnp.float32)
    return {"x": x, "u3_params": u3_params, "cu3_params": cu3_params, "fc_W": fc_W, "fc_b": fc_b}


def reference(x, u3_params, cu3_params, fc_W, fc_b):
    easy_scale_coeff = 2.0 ** (N_WIRES - 1)
    gamma = 0.1
    beta = 0.8
    alpha = 0.3
    psi = _circuit(u3_params, cu3_params)
    state_probs = (jnp.abs(psi) ** 2)[:N_STATES]
    logits = jnp.log(state_probs + 1e-12)
    samples = jax.random.categorical(jax.random.key(42), logits, shape=(SHOTS,))
    samples = jax.lax.stop_gradient(samples)
    counts = jnp.bincount(samples, length=N_STATES).astype(jnp.float32)
    measured_probs = counts / SHOTS
    xq = measured_probs.reshape(N_STATES, 1)
    xq = (beta * jnp.tanh(gamma * easy_scale_coeff * xq)) ** alpha
    xq = xq - jnp.mean(xq)
    weights = xq
    bsz = x.shape[0]
    expanded_weights = jnp.broadcast_to(weights.reshape(1, -1), (bsz, N_STATES))
    return expanded_weights @ fc_W.T + fc_b

if __name__ == "__main__":
    import jax
    _d = setup_inputs()
    print(jax.jit(kernel)(*tuple(_d.values())))

</pallas_src>

<mosaic_0001>
#map = affine_map<(d0, d1) -> (0, 0, 0)>
#map1 = affine_map<(d0, d1) -> (0, 0)>
module attributes {stable_mosaic.version = 14 : i64} {
  func.func @_hist_body(%arg0: i32, %arg1: i32, %arg2: memref<2x32x128xi32, #tpu.memory_space<hbm>>, %arg3: memref<2x65536xf32, #tpu.memory_space<hbm>>, %arg4: memref<32x128xi32, #tpu.memory_space<vmem>>, %arg5: memref<128xf32, #tpu.memory_space<vmem>>, %arg6: memref<4096xf32, #tpu.memory_space<vmem>>, %arg7: memref<65536xf32, #tpu.memory_space<vmem_shared>>) attributes {dimension_semantics = [#tpu.dimension_semantics<core_parallel>, #tpu.dimension_semantics<subcore_parallel>], iteration_bounds = array<i64: 2, 16>, scalar_prefetch = 0 : i64, scratch_operands = 4 : i64, tpu.core_type = #tpu.core_type<sc_vector_subcore>, window_params = [{transform_indices = #map}, {transform_indices = #map1}]} {
    %scan3A = arith.constant 0 : i32
    %scan3A_0 = arith.constant 0 : i32
    %scan3A_1 = arith.constant 256 : i32
    %scan3A_2 = arith.addi %scan3A_0, %scan3A_1 : i32
    %scan3A_3 = arith.constant 1 : i32
    %scan3A_4 = scf.for %scan3A_14 = %scan3A_0 to %scan3A_2 step %scan3A_3 iter_args(%scan3A_15 = %scan3A) -> (i32)  : i32 {
      %broadcast_in_dim3A = arith.constant 0.000000e+00 : f32
      %broadcast_in_dim3A_16 = vector.broadcast %broadcast_in_dim3A : f32 to vector<16xf32>
      %mul3A_17 = arith.constant 16 : i32
      %mul3A_18 = arith.muli %scan3A_14, %mul3A_17 : i32
      %swap3A = arith.index_cast %mul3A_18 : i32 to index
      %swap3A_19 = tpu.vector_load %arg6[%swap3A] {strides = array<i32>} : memref<4096xf32, #tpu.memory_space<vmem>>, vector<16xf32>,
      %swap3A_20 = vector.shape_cast %swap3A_19 : vector<16xf32> to vector<16xf32>
      %swap3A_21 = vector.shape_cast %broadcast_in_dim3A_16 : vector<16xf32> to vector<16xf32>
      tpu.vector_store %arg6[%swap3A], %swap3A_21 {strides = array<i32>} : memref<4096xf32, #tpu.memory_space<vmem>>, vector<16xf32>,
      %scan3A_22 = arith.constant 0 : i32
      scf.yield %scan3A_22 : i32
    }
    %scan3A_5 = arith.constant 256 : i32
    %mul3A = arith.constant 4096 : i32
    %mul3A_6 = arith.muli %arg1, %mul3A : i32
    "tpu.region"() ({
      %run_scoped3A = tpu.sem_alloc : memref<!tpu.dma_semaphore, #tpu.memory_space<semaphore_mem>>
      %dma_start3A = tpu.memref_slice %arg7[%mul3A_6] : memref<65536xf32, #tpu.memory_space<vmem_shared>> -> memref<4096xf32, #tpu.memory_space<vmem_shared>>
      %dma_start3A_14 = tpu.memref_slice %arg7[%mul3A_6] : memref<65536xf32, #tpu.memory_space<vmem_shared>> -> memref<4096xf32, #tpu.memory_space<vmem_shared>>
      tpu.enqueue_dma source(%arg6 : memref<4096xf32, #tpu.memory_space<vmem>>) target(%dma_start3A_14 : memref<4096xf32, #tpu.memory_space<vmem_shared>>) target_semaphore(%run_scoped3A : memref<!tpu.dma_semaphore, #tpu.memory_space<semaphore_mem>>)
      %dma_wait3A = tpu.memref_slice %arg7[%mul3A_6] : memref<65536xf32, #tpu.memory_space<vmem_shared>> -> memref<4096xf32, #tpu.memory_space<vmem_shared>>
      %dma_wait3A_15 = tpu.memref_slice %arg7[%mul3A_6] : memref<65536xf32, #tpu.memory_space<vmem_shared>> -> memref<4096xf32, #tpu.memory_space<vmem_shared>>
      tpu.wait_dma2 semaphore(%run_scoped3A : memref<!tpu.dma_semaphore, #tpu.memory_space<semaphore_mem>>) src(%arg6 : memref<4096xf32, #tpu.memory_space<vmem>>) dst(%dma_wait3A_15 : memref<4096xf32, #tpu.memory_space<vmem_shared>>)
      tpu.yield
    }) : () -> ()
    %barrier3A = arith.constant 0 : index
    tpu.barrier barrier_id(%barrier3A)
    %eq3A = arith.constant 0 : i32
    %eq3A_7 = arith.cmpi eq, %arg1, %eq3A : i32
    %convert_element_type3A = arith.extui %eq3A_7 : i1 to i32
    %cond3A = arith.constant 0 : i32
    %cond3A_8 = arith.cmpi ne, %convert_element_type3A, %cond3A : i32
    scf.if %cond3A_8 {
      %scan3A_14 = arith.constant 0 : i32
      %scan3A_15 = arith.constant 0 : i32
      %scan3A_16 = arith.constant 8 : i32
      %scan3A_17 = arith.addi %scan3A_15, %scan3A_16 : i32
      %scan3A_18 = arith.constant 1 : i32
      %scan3A_19 = scf.for %scan3A_28 = %scan3A_15 to %scan3A_17 step %scan3A_18 iter_args(%scan3A_29 = %scan3A_14) -> (i32)  : i32 {
        %broadcast_in_dim3A = arith.constant 1.000000e+00 : f32
        %broadcast_in_dim3A_30 = vector.broadcast %broadcast_in_dim3A : f32 to vector<16xf32>
        %mul3A_31 = arith.constant 16 : i32
        %mul3A_32 = arith.muli %scan3A_28, %mul3A_31 : i32
        %swap3A = arith.index_cast %mul3A_32 : i32 to index
        %swap3A_33 = tpu.vector_load %arg5[%swap3A] {strides = array<i32>} : memref<128xf32, #tpu.memory_space<vmem>>, vector<16xf32>,
        %swap3A_34 = vector.shape_cast %swap3A_33 : vector<16xf32> to vector<16xf32>
        %swap3A_35 = vector.shape_cast %broadcast_in_dim3A_30 : vector<16xf32> to vector<16xf32>
        tpu.vector_store %arg5[%swap3A], %swap3A_35 {strides = array<i32>} : memref<128xf32, #tpu.memory_space<vmem>>, vector<16xf32>,
        %scan3A_36 = arith.constant 0 : i32
        scf.yield %scan3A_36 : i32
      }
      %scan3A_20 = arith.constant 8 : i32
      "tpu.region"() ({
        %run_scoped3A = tpu.sem_alloc : memref<!tpu.dma_semaphore, #tpu.memory_space<semaphore_mem>>
        %dma_start3A = arith.constant 0 : i32
        %dma_start3A_28 = arith.constant 0 : i32
        %dma_start3A_29 = tpu.memref_slice %arg2[%arg0, %dma_start3A, %dma_start3A_28] : memref<2x32x128xi32, #tpu.memory_space<hbm>> -> memref<1x32x128xi32, #tpu.memory_space<hbm>>
        %dma_start3A_30 = tpu.memref_squeeze %dma_start3A_29 : memref<1x32x128xi32, #tpu.memory_space<hbm>> -> memref<32x128xi32, #tpu.memory_space<hbm>>
        %dma_start3A_31 = arith.constant 0 : i32
        %dma_start3A_32 = arith.constant 0 : i32
        %dma_start3A_33 = tpu.memref_slice %arg2[%arg0, %dma_start3A_31, %dma_start3A_32] : memref<2x32x128xi32, #tpu.memory_space<hbm>> -> memref<1x32x128xi32, #tpu.memory_space<hbm>>
        %dma_start3A_34 = tpu.memref_squeeze %dma_start3A_33 : memref<1x32x128xi32, #tpu.memory_space<hbm>> -> memref<32x128xi32, #tpu.memory_space<hbm>>
        tpu.enqueue_dma source(%dma_start3A_34 : memref<32x128xi32, #tpu.memory_space<hbm>>) target(%arg4 : memref<32x128xi32, #tpu.memory_space<vmem>>) target_semaphore(%run_scoped3A : memref<!tpu.dma_semaphore, #tpu.memory_space<semaphore_mem>>)
        %dma_wait3A = arith.constant 0 : i32
        %dma_wait3A_35 = arith.constant 0 : i32
        %dma_wait3A_36 = tpu.memref_slice %arg2[%arg0, %dma_wait3A, %dma_wait3A_35] : memref<2x32x128xi32, #tpu.memory_space<hbm>> -> memref<1x32x128xi32, #tpu.memory_space<hbm>>
        %dma_wait3A_37 = tpu.memref_squeeze %dma_wait3A_36 : memref<1x32x128xi32, #tpu.memory_space<hbm>> -> memref<32x128xi32, #tpu.memory_space<hbm>>
        %dma_wait3A_38 = arith.constant 0 : i32
        %dma_wait3A_39 = arith.constant 0 : i32
        %dma_wait3A_40 = tpu.memref_slice %arg2[%arg0, %dma_wait3A_38, %dma_wait3A_39] : memref<2x32x128xi32, #tpu.memory_space<hbm>> -> memref<1x32x128xi32, #tpu.memory_space<hbm>>
        %dma_wait3A_41 = tpu.memref_squeeze %dma_wait3A_40 : memref<1x32x128xi32, #tpu.memory_space<hbm>> -> memref<32x128xi32, #tpu.memory_space<hbm>>
        tpu.wait_dma2 semaphore(%run_scoped3A : memref<!tpu.dma_semaphore, #tpu.memory_space<semaphore_mem>>) src(%dma_wait3A_41 : memref<32x128xi32, #tpu.memory_space<hbm>>) dst(%arg4 : memref<32x128xi32, #tpu.memory_space<vmem>>)
        tpu.yield
      }) : () -> ()
      %scan3A_21 = arith.constant 0 : i32
      %scan3A_22 = arith.constant 0 : i32
      %scan3A_23 = arith.constant 32 : i32
      %scan3A_24 = arith.addi %scan3A_22, %scan3A_23 : i32
      %scan3A_25 = arith.constant 1 : i32
      %scan3A_26 = scf.for %scan3A_28 = %scan3A_22 to %scan3A_24 step %scan3A_25 iter_args(%scan3A_29 = %scan3A_21) -> (i32)  : i32 {
        "tpu.region"() ({
          %run_scoped3A = tpu.sem_alloc : memref<!tpu.dma_semaphore, #tpu.memory_space<semaphore_mem>>
          %dma_start3A = arith.constant 0 : i32
          %dma_start3A_31 = tpu.memref_slice %arg4[%scan3A_28, %dma_start3A] : memref<32x128xi32, #tpu.memory_space<vmem>> -> memref<1x128xi32, #tpu.memory_space<vmem>>
          %dma_start3A_32 = tpu.memref_squeeze %dma_start3A_31 : memref<1x128xi32, #tpu.memory_space<vmem>> -> memref<128xi32, #tpu.memory_space<vmem>>
          %dma_start3A_33 = arith.constant 0 : i32
          %dma_start3A_34 = tpu.memref_slice %arg7[%dma_start3A_33] : memref<65536xf32, #tpu.memory_space<vmem_shared>> -> memref<65536xf32, #tpu.memory_space<vmem_shared>>
          tpu.enqueue_indirect_dma source(%arg5 : memref<128xf32, #tpu.memory_space<vmem>>) target(%dma_start3A_34 : memref<65536xf32, #tpu.memory_space<vmem_shared>>) offsets(%dma_start3A_32 : memref<128xi32, #tpu.memory_space<vmem>>) semaphore(%run_scoped3A : memref<!tpu.dma_semaphore, #tpu.memory_space<semaphore_mem>>) {add = true}
          %dma_wait3A = arith.constant 0 : i32
          %dma_wait3A_35 = tpu.memref_slice %arg4[%scan3A_28, %dma_wait3A] : memref<32x128xi32, #tpu.memory_space<vmem>> -> memref<1x128xi32, #tpu.memory_space<vmem>>
          %dma_wait3A_36 = tpu.memref_squeeze %dma_wait3A_35 : memref<1x128xi32, #tpu.memory_space<vmem>> -> memref<128xi32, #tpu.memory_space<vmem>>
          %dma_wait3A_37 = arith.constant 0 : i32
          %dma_wait3A_38 = tpu.memref_slice %arg7[%dma_wait3A_37] : memref<65536xf32, #tpu.memory_space<vmem_shared>> -> memref<65536xf32, #tpu.memory_space<vmem_shared>>
          tpu.wait_indirect_dma semaphore(%run_scoped3A : memref<!tpu.dma_semaphore, #tpu.memory_space<semaphore_mem>>) src(%arg5 : memref<128xf32, #tpu.memory_space<vmem>>) dst(%dma_wait3A_38 : memref<65536xf32, #tpu.memory_space<vmem_shared>>)
          tpu.yield
        }) : () -> ()
        %scan3A_30 = arith.constant 0 : i32
        scf.yield %scan3A_30 : i32
      }
      %scan3A_27 = arith.constant 32 : i32
    } else {
    }
    %barrier3A_9 = arith.constant 0 : index
    tpu.barrier barrier_id(%barrier3A_9)
    %mul3A_10 = arith.constant 4096 : i32
    %mul3A_11 = arith.muli %arg1, %mul3A_10 : i32
    "tpu.region"() ({
      %run_scoped3A = tpu.sem_alloc : memref<!tpu.dma_semaphore, #tpu.memory_space<semaphore_mem>>
      %dma_start3A = tpu.memref_slice %arg7[%mul3A_11] : memref<65536xf32, #tpu.memory_space<vmem_shared>> -> memref<4096xf32, #tpu.memory_space<vmem_shared>>
      %dma_start3A_14 = tpu.memref_slice %arg7[%mul3A_11] : memref<65536xf32, #tpu.memory_space<vmem_shared>> -> memref<4096xf32, #tpu.memory_space<vmem_shared>>
      tpu.enqueue_dma source(%dma_start3A_14 : memref<4096xf32, #tpu.memory_space<vmem_shared>>) target(%arg6 : memref<4096xf32, #tpu.memory_space<vmem>>) target_semaphore(%run_scoped3A : memref<!tpu.dma_semaphore, #tpu.memory_space<semaphore_mem>>)
      %dma_wait3A = tpu.memref_slice %arg7[%mul3A_11] : memref<65536xf32, #tpu.memory_space<vmem_shared>> -> memref<4096xf32, #tpu.memory_space<vmem_shared>>
      %dma_wait3A_15 = tpu.memref_slice %arg7[%mul3A_11] : memref<65536xf32, #tpu.memory_space<vmem_shared>> -> memref<4096xf32, #tpu.memory_space<vmem_shared>>
      tpu.wait_dma2 semaphore(%run_scoped3A : memref<!tpu.dma_semaphore, #tpu.memory_space<semaphore_mem>>) src(%dma_wait3A_15 : memref<4096xf32, #tpu.memory_space<vmem_shared>>) dst(%arg6 : memref<4096xf32, #tpu.memory_space<vmem>>)
      tpu.yield
    }) : () -> ()
    %mul3A_12 = arith.constant 4096 : i32
    %mul3A_13 = arith.muli %arg1, %mul3A_12 : i32
    "tpu.region"() ({
      %run_scoped3A = tpu.sem_alloc : memref<!tpu.dma_semaphore, #tpu.memory_space<semaphore_mem>>
      %dma_start3A = tpu.memref_slice %arg3[%arg0, %mul3A_13] : memref<2x65536xf32, #tpu.memory_space<hbm>> -> memref<1x4096xf32, #tpu.memory_space<hbm>>
      %dma_start3A_14 = tpu.memref_squeeze %dma_start3A : memref<1x4096xf32, #tpu.memory_space<hbm>> -> memref<4096xf32, #tpu.memory_space<hbm>>
      %dma_start3A_15 = tpu.memref_slice %arg3[%arg0, %mul3A_13] : memref<2x65536xf32, #tpu.memory_space<hbm>> -> memref<1x4096xf32, #tpu.memory_space<hbm>>
      %dma_start3A_16 = tpu.memref_squeeze %dma_start3A_15 : memref<1x4096xf32, #tpu.memory_space<hbm>> -> memref<4096xf32, #tpu.memory_space<hbm>>
      tpu.enqueue_dma source(%arg6 : memref<4096xf32, #tpu.memory_space<vmem>>) target(%dma_start3A_16 : memref<4096xf32, #tpu.memory_space<hbm>>) target_semaphore(%run_scoped3A : memref<!tpu.dma_semaphore, #tpu.memory_space<semaphore_mem>>)
      %dma_wait3A = tpu.memref_slice %arg3[%arg0, %mul3A_13] : memref<2x65536xf32, #tpu.memory_space<hbm>> -> memref<1x4096xf32, #tpu.memory_space<hbm>>
      %dma_wait3A_17 = tpu.memref_squeeze %dma_wait3A : memref<1x4096xf32, #tpu.memory_space<hbm>> -> memref<4096xf32, #tpu.memory_space<hbm>>
      %dma_wait3A_18 = tpu.memref_slice %arg3[%arg0, %mul3A_13] : memref<2x65536xf32, #tpu.memory_space<hbm>> -> memref<1x4096xf32, #tpu.memory_space<hbm>>
      %dma_wait3A_19 = tpu.memref_squeeze %dma_wait3A_18 : memref<1x4096xf32, #tpu.memory_space<hbm>> -> memref<4096xf32, #tpu.memory_space<hbm>>
      tpu.wait_dma2 semaphore(%run_scoped3A : memref<!tpu.dma_semaphore, #tpu.memory_space<semaphore_mem>>) src(%arg6 : memref<4096xf32, #tpu.memory_space<vmem>>) dst(%dma_wait3A_19 : memref<4096xf32, #tpu.memory_space<hbm>>)
      tpu.yield
    }) : () -> ()
    return
  }
}

module attributes {stable_mosaic.version = 14 : i64} {
  func.func @_circuit_body(%arg0: memref<128x8xf32, #tpu.memory_space<smem>>, %arg1: memref<128x5xi32, #tpu.memory_space<smem>>, %arg2: memref<256x256xf32, #tpu.memory_space<vmem>>) attributes {dimension_semantics = [], scalar_prefetch = 0 : i64, scratch_operands = 0 : i64, tpu.core_type = #tpu.core_type<tc>} {
    %iota3A = tpu.iota {dimensions = array<i32: 0>} : vector<256x256xi32>
    %iota3A_0 = tpu.iota {dimensions = array<i32: 1>} : vector<256x256xi32>
    %eq3A = arith.constant 0 : i32
    %eq3A_1 = vector.broadcast %eq3A : i32 to vector<256x256xi32>
    %eq3A_2 = arith.cmpi eq, %iota3A, %eq3A_1 : vector<256x256xi32>
    %eq3A_3 = arith.constant 0 : i32
    %eq3A_4 = vector.broadcast %eq3A_3 : i32 to vector<256x256xi32>
    %eq3A_5 = arith.cmpi eq, %iota3A_0, %eq3A_4 : vector<256x256xi32>
    %and3A = arith.andi %eq3A_2, %eq3A_5 : vector<256x256xi1>
    %jit3A = arith.constant 1.000000e+00 : f32
    %jit3A_6 = arith.constant 0.000000e+00 : f32
    %broadcast_in_dim3A = vector.broadcast %jit3A : f32 to vector<256x256xf32>
    %broadcast_in_dim3A_7 = vector.broadcast %jit3A_6 : f32 to vector<256x256xf32>
    %select_n3A = arith.select %and3A, %broadcast_in_dim3A, %broadcast_in_dim3A_7 : vector<256x256xi1>, vector<256x256xf32>
    %broadcast_in_dim3A_8 = arith.constant 0.000000e+00 : f32
    %broadcast_in_dim3A_9 = vector.broadcast %broadcast_in_dim3A_8 : f32 to vector<256x256xf32>
    %scan3A = arith.constant 0 : i32
    %scan3A_10 = arith.constant 128 : i32
    %scan3A_11 = arith.addi %scan3A, %scan3A_10 : i32
    %scan3A_12 = arith.constant 1 : i32
    %scan3A_13:2 = scf.for %scan3A_22 = %scan3A to %scan3A_11 step %scan3A_12 iter_args(%scan3A_23 = %select_n3A, %scan3A_24 = %broadcast_in_dim3A_9) -> (vector<256x256xf32>, vector<256x256xf32>)  : i32 {
      %get3A = arith.index_cast %scan3A_22 : i32 to index
      %get3A_25 = arith.constant 0 : index
      %get3A_26 = memref.load %arg0[%get3A, %get3A_25] : memref<128x8xf32, #tpu.memory_space<smem>>
      %get3A_27 = arith.index_cast %scan3A_22 : i32 to index
      %get3A_28 = arith.constant 1 : index
      %get3A_29 = memref.load %arg0[%get3A_27, %get3A_28] : memref<128x8xf32, #tpu.memory_space<smem>>
      %get3A_30 = arith.index_cast %scan3A_22 : i32 to index
      %get3A_31 = arith.constant 2 : index
      %get3A_32 = memref.load %arg0[%get3A_30, %get3A_31] : memref<128x8xf32, #tpu.memory_space<smem>>
      %get3A_33 = arith.index_cast %scan3A_22 : i32 to index
      %get3A_34 = arith.constant 3 : index
      %get3A_35 = memref.load %arg0[%get3A_33, %get3A_34] : memref<128x8xf32, #tpu.memory_space<smem>>
      %get3A_36 = arith.index_cast %scan3A_22 : i32 to index
      %get3A_37 = arith.constant 4 : index
      %get3A_38 = memref.load %arg0[%get3A_36, %get3A_37] : memref<128x8xf32, #tpu.memory_space<smem>>
      %get3A_39 = arith.index_cast %scan3A_22 : i32 to index
      %get3A_40 = arith.constant 5 : index
      %get3A_41 = memref.load %arg0[%get3A_39, %get3A_40] : memref<128x8xf32, #tpu.memory_space<smem>>
      %get3A_42 = arith.index_cast %scan3A_22 : i32 to index
      %get3A_43 = arith.constant 6 : index
      %get3A_44 = memref.load %arg0[%get3A_42, %get3A_43] : memref<128x8xf32, #tpu.memory_space<smem>>
      %get3A_45 = arith.index_cast %scan3A_22 : i32 to index
      %get3A_46 = arith.constant 7 : index
      %get3A_47 = memref.load %arg0[%get3A_45, %get3A_46] : memref<128x8xf32, #tpu.memory_space<smem>>
      %get3A_48 = arith.index_cast %scan3A_22 : i32 to index
      %get3A_49 = arith.constant 0 : index
      %get3A_50 = memref.load %arg1[%get3A_48, %get3A_49] : memref<128x5xi32, #tpu.memory_space<smem>>
      %get3A_51 = arith.index_cast %scan3A_22 : i32 to index
      %get3A_52 = arith.constant 1 : index
      %get3A_53 = memref.load %arg1[%get3A_51, %get3A_52] : memref<128x5xi32, #tpu.memory_space<smem>>
      %get3A_54 = arith.index_cast %scan3A_22 : i32 to index
      %get3A_55 = arith.constant 2 : index
      %get3A_56 = memref.load %arg1[%get3A_54, %get3A_55] : memref<128x5xi32, #tpu.memory_space<smem>>
      %get3A_57 = arith.index_cast %scan3A_22 : i32 to index
      %get3A_58 = arith.constant 3 : index
      %get3A_59 = memref.load %arg1[%get3A_57, %get3A_58] : memref<128x5xi32, #tpu.memory_space<smem>>
      %get3A_60 = arith.index_cast %scan3A_22 : i32 to index
      %get3A_61 = arith.constant 4 : index
      %get3A_62 = memref.load %arg1[%get3A_60, %get3A_61] : memref<128x5xi32, #tpu.memory_space<smem>>
      %xor3A = vector.broadcast %get3A_50 : i32 to vector<256x256xi32>
      %xor3A_63 = arith.xori %iota3A, %xor3A : vector<256x256xi32>
      %eq3A_64 = arith.cmpi eq, %xor3A_63, %iota3A_0 : vector<256x256xi32>
      %convert_element_type3A = arith.extui %eq3A_64 : vector<256x256xi1> to vector<256x256xi32>
      %convert_element_type3A_65 = arith.sitofp %convert_element_type3A : vector<256x256xi32> to vector<256x256xf32>
      %xor3A_66 = vector.broadcast %get3A_53 : i32 to vector<256x256xi32>
      %xor3A_67 = arith.xori %iota3A, %xor3A_66 : vector<256x256xi32>
      %eq3A_68 = arith.cmpi eq, %xor3A_67, %iota3A_0 : vector<256x256xi32>
      %convert_element_type3A_69 = arith.extui %eq3A_68 : vector<256x256xi1> to vector<256x256xi32>
      %convert_element_type3A_70 = arith.sitofp %convert_element_type3A_69 : vector<256x256xi32> to vector<256x256xf32>
      %dot_general3A = arith.constant dense<0.000000e+00> : vector<256x256xf32>
      %dot_general3A_71 = tpu.matmul %convert_element_type3A_65, %scan3A_23, %dot_general3A {dimension_numbers = #tpu.dot_dimension_numbers<[1], [0], [0], [1], [0, 0, 1, 1], [], []>, precision = #tpu.contract_precision<fp32>, transpose_lhs_hint = false} : vector<256x256xf32>, vector<256x256xf32>, vector<256x256xf32> -> vector<256x256xf32>
      %dot_general3A_72 = arith.constant dense<0.000000e+00> : vector<256x256xf32>
      %dot_general3A_73 = tpu.matmul %convert_element_type3A_65, %scan3A_24, %dot_general3A_72 {dimension_numbers = #tpu.dot_dimension_numbers<[1], [0], [0], [1], [0, 0, 1, 1], [], []>, precision = #tpu.contract_precision<fp32>, transpose_lhs_hint = false} : vector<256x256xf32>, vector<256x256xf32>, vector<256x256xf32> -> vector<256x256xf32>
      %dot_general3A_74 = arith.constant dense<0.000000e+00> : vector<256x256xf32>
      %dot_general3A_75 = tpu.matmul %dot_general3A_71, %convert_element_type3A_70, %dot_general3A_74 {dimension_numbers = #tpu.dot_dimension_numbers<[1], [0], [0], [1], [0, 0, 1, 1], [], []>, precision = #tpu.contract_precision<fp32>, transpose_lhs_hint = false} : vector<256x256xf32>, vector<256x256xf32>, vector<256x256xf32> -> vector<256x256xf32>
      %dot_general3A_76 = arith.constant dense<0.000000e+00> : vector<256x256xf32>
      %dot_general3A_77 = tpu.matmul %dot_general3A_73, %convert_element_type3A_70, %dot_general3A_76 {dimension_numbers = #tpu.dot_dimension_numbers<[1], [0], [0], [1], [0, 0, 1, 1], [], []>, precision = #tpu.contract_precision<fp32>, transpose_lhs_hint = false} : vector<256x256xf32>, vector<256x256xf32>, vector<256x256xf32> -> vector<256x256xf32>
      %and3A_78 = vector.broadcast %get3A_50 : i32 to vector<256x256xi32>
      %and3A_79 = arith.andi %iota3A, %and3A_78 : vector<256x256xi32>
      %and3A_80 = vector.broadcast %get3A_53 : i32 to vector<256x256xi32>
      %and3A_81 = arith.andi %iota3A_0, %and3A_80 : vector<256x256xi32>
      %or3A = arith.ori %and3A_79, %and3A_81 : vector<256x256xi32>
      %ne3A = arith.constant 0 : i32
      %ne3A_82 = vector.broadcast %ne3A : i32 to vector<256x256xi32>
      %ne3A_83 = arith.cmpi ne, %or3A, %ne3A_82 : vector<256x256xi32>
      %broadcast_in_dim3A_84 = vector.broadcast %get3A_44 : f32 to vector<256x256xf32>
      %broadcast_in_dim3A_85 = vector.broadcast %get3A_26 : f32 to vector<256x256xf32>
      %select_n3A_86 = arith.select %ne3A_83, %broadcast_in_dim3A_84, %broadcast_in_dim3A_85 : vector<256x256xi1>, vector<256x256xf32>
      %broadcast_in_dim3A_87 = vector.broadcast %get3A_47 : f32 to vector<256x256xf32>
      %broadcast_in_dim3A_88 = vector.broadcast %get3A_29 : f32 to vector<256x256xf32>
      %select_n3A_89 = arith.select %ne3A_83, %broadcast_in_dim3A_87, %broadcast_in_dim3A_88 : vector<256x256xi1>, vector<256x256xf32>
      %broadcast_in_dim3A_90 = vector.broadcast %get3A_38 : f32 to vector<256x256xf32>
      %broadcast_in_dim3A_91 = vector.broadcast %get3A_32 : f32 to vector<256x256xf32>
      %select_n3A_92 = arith.select %ne3A_83, %broadcast_in_dim3A_90, %broadcast_in_dim3A_91 : vector<256x256xi1>, vector<256x256xf32>
      %broadcast_in_dim3A_93 = vector.broadcast %get3A_41 : f32 to vector<256x256xf32>
      %broadcast_in_dim3A_94 = vector.broadcast %get3A_35 : f32 to vector<256x256xf32>
      %select_n3A_95 = arith.select %ne3A_83, %broadcast_in_dim3A_93, %broadcast_in_dim3A_94 : vector<256x256xi1>, vector<256x256xf32>
      %mul3A_96 = arith.mulf %select_n3A_86, %scan3A_23 : vector<256x256xf32>
      %mul3A_97 = arith.mulf %select_n3A_89, %scan3A_24 : vector<256x256xf32>
      %sub3A = arith.subf %mul3A_96, %mul3A_97 : vector<256x256xf32>
      %mul3A_98 = arith.mulf %select_n3A_92, %dot_general3A_75 : vector<256x256xf32>
      %add3A_99 = arith.addf %sub3A, %mul3A_98 : vector<256x256xf32>
      %mul3A_100 = arith.mulf %select_n3A_95, %dot_general3A_77 : vector<256x256xf32>
      %sub3A_101 = arith.subf %add3A_99, %mul3A_100 : vector<256x256xf32>
      %mul3A_102 = arith.mulf %select_n3A_86, %scan3A_24 : vector<256x256xf32>
      %mul3A_103 = arith.mulf %select_n3A_89, %scan3A_23 : vector<256x256xf32>
      %add3A_104 = arith.addf %mul3A_102, %mul3A_103 : vector<256x256xf32>
      %mul3A_105 = arith.mulf %select_n3A_92, %dot_general3A_77 : vector<256x256xf32>
      %add3A_106 = arith.addf %add3A_104, %mul3A_105 : vector<256x256xf32>
      %mul3A_107 = arith.mulf %select_n3A_95, %dot_general3A_75 : vector<256x256xf32>
      %add3A_108 = arith.addf %add3A_106, %mul3A_107 : vector<256x256xf32>
      %and3A_109 = vector.broadcast %get3A_56 : i32 to vector<256x256xi32>
      %and3A_110 = arith.andi %iota3A, %and3A_109 : vector<256x256xi32>
      %and3A_111 = vector.broadcast %get3A_59 : i32 to vector<256x256xi32>
      %and3A_112 = arith.andi %iota3A_0, %and3A_111 : vector<256x256xi32>
      %or3A_113 = arith.ori %and3A_110, %and3A_112 : vector<256x256xi32>
      %add3A_114 = vector.broadcast %get3A_62 : i32 to vector<256x256xi32>
      %add3A_115 = arith.addi %or3A_113, %add3A_114 : vector<256x256xi32>
      %ne3A_116 = arith.constant 0 : i32
      %ne3A_117 = vector.broadcast %ne3A_116 : i32 to vector<256x256xi32>
      %ne3A_118 = arith.cmpi ne, %add3A_115, %ne3A_117 : vector<256x256xi32>
      %select_n3A_119 = arith.select %ne3A_118, %sub3A_101, %scan3A_23 : vector<256x256xi1>, vector<256x256xf32>
      %select_n3A_120 = arith.select %ne3A_118, %add3A_108, %scan3A_24 : vector<256x256xi1>, vector<256x256xf32>
      scf.yield %select_n3A_119, %select_n3A_120 : vector<256x256xf32>, vector<256x256xf32>
    }
    %scan3A_14 = arith.constant 128 : i32
    %mul3A = arith.mulf %scan3A_13#0, %scan3A_13#0 : vector<256x256xf32>
    %mul3A_15 = arith.mulf %scan3A_13#1, %scan3A_13#1 : vector<256x256xf32>
    %add3A = arith.addf %mul3A, %mul3A_15 : vector<256x256xf32>
    %sqrt3A = math.sqrt %add3A : vector<256x256xf32>
    %mul3A_16 = arith.mulf %sqrt3A, %sqrt3A : vector<256x256xf32>
    %add3A_17 = arith.constant 9.99999996E-13 : f32
    %add3A_18 = vector.broadcast %add3A_17 : f32 to vector<256x256xf32>
    %add3A_19 = arith.addf %mul3A_16, %add3A_18 : vector<256x256xf32>
    %log3A = math.log %add3A_19 : vector<256x256xf32>
    %swap3A = arith.constant 0 : index
    %swap3A_20 = arith.constant 0 : index
    %swap3A_21 = vector.load %arg2[%swap3A, %swap3A_20] : memref<256x256xf32, #tpu.memory_space<vmem>>, vector<256x256xf32>
    tpu.vector_store %arg2[%swap3A, %swap3A_20], %log3A {strides = array<i32>} : memref<256x256xf32, #tpu.memory_space<vmem>>, vector<256x256xf32>,
    return
  }
}

module attributes {stable_mosaic.version = 14 : i64} {
  func.func @_sample_body(%arg0: i32, %arg1: memref<512x128xf32, #tpu.memory_space<vmem>>, %arg2: memref<64x128xi32, #tpu.memory_space<vmem>>) attributes {dimension_semantics = [#tpu.dimension_semantics<parallel>], iteration_bounds = array<i64: 128>, scalar_prefetch = 0 : i64, scratch_operands = 0 : i64, tpu.core_type = #tpu.core_type<tc>, window_params = [{pipeline_mode = #tpu.pipeline_mode<synchronous>, transform_indices = @transform_0, window_bounds = array<i64: 512, 128>}, {transform_indices = @transform_1, window_bounds = array<i64: 64, 128>}]} {
    %iota3A = tpu.iota {dimensions = array<i32: 0>} : vector<64x128xi32>
    %iota3A_0 = tpu.iota {dimensions = array<i32: 1>} : vector<64x128xi32>
    %mul3A = arith.constant 64 : i32
    %mul3A_1 = arith.muli %arg0, %mul3A : i32
    %add3A = vector.broadcast %mul3A_1 : i32 to vector<64x128xi32>
    %add3A_2 = arith.addi %add3A, %iota3A : vector<64x128xi32>
    %mul3A_3 = arith.constant 65536 : i32
    %mul3A_4 = vector.broadcast %mul3A_3 : i32 to vector<64x128xi32>
    %mul3A_5 = arith.muli %add3A_2, %mul3A_4 : vector<64x128xi32>
    %add3A_6 = arith.addi %mul3A_5, %iota3A_0 : vector<64x128xi32>
    %add3A_7 = arith.constant 42 : i32
    %add3A_8 = vector.broadcast %add3A_7 : i32 to vector<64x128xi32>
    %add3A_9 = arith.addi %add3A_6, %add3A_8 : vector<64x128xi32>
    %broadcast_in_dim3A = arith.constant 0xFF800000 : f32
    %broadcast_in_dim3A_10 = vector.broadcast %broadcast_in_dim3A : f32 to vector<64x128xf32>
    %broadcast_in_dim3A_11 = arith.constant 0 : i32
    %broadcast_in_dim3A_12 = vector.broadcast %broadcast_in_dim3A_11 : i32 to vector<64x128xi32>
    %scan3A = arith.constant 1.17549435E-38 : f32
    %scan3A_13 = arith.constant 0 : i32
    %scan3A_14 = arith.constant 128 : i32
    %scan3A_15 = arith.addi %scan3A_13, %scan3A_14 : i32
    %scan3A_16 = arith.constant 1 : i32
    %scan3A_17:2 = scf.for %scan3A_29 = %scan3A_13 to %scan3A_15 step %scan3A_16 iter_args(%scan3A_30 = %broadcast_in_dim3A_10, %scan3A_31 = %broadcast_in_dim3A_12) -> (vector<64x128xf32>, vector<64x128xi32>)  : i32 {
      %mul3A_32 = arith.constant 512 : i32
      %mul3A_33 = arith.muli %scan3A_29, %mul3A_32 : i32
      %add3A_34 = arith.constant 0 : i32
      %add3A_35 = arith.addi %mul3A_33, %add3A_34 : i32
      %add3A_36 = vector.broadcast %add3A_35 : i32 to vector<64x128xi32>
      %add3A_37 = arith.addi %add3A_9, %add3A_36 : vector<64x128xi32>
      %shift_left3A = arith.constant 13 : i32
      %shift_left3A_38 = vector.broadcast %shift_left3A : i32 to vector<64x128xi32>
      %shift_left3A_39 = arith.shli %add3A_37, %shift_left3A_38 : vector<64x128xi32>
      %shift_right_logical3A = arith.constant 19 : i32
      %shift_right_logical3A_40 = vector.broadcast %shift_right_logical3A : i32 to vector<64x128xi32>
      %shift_right_logical3A_41 = arith.shrui %add3A_37, %shift_right_logical3A_40 : vector<64x128xi32>
      %or3A = arith.ori %shift_left3A_39, %shift_right_logical3A_41 : vector<64x128xi32>
      %xor3A = arith.xori %or3A, %add3A_37 : vector<64x128xi32>
      %add3A_42 = arith.addi %add3A_37, %xor3A : vector<64x128xi32>
      %shift_left3A_43 = arith.constant 15 : i32
      %shift_left3A_44 = vector.broadcast %shift_left3A_43 : i32 to vector<64x128xi32>
      %shift_left3A_45 = arith.shli %xor3A, %shift_left3A_44 : vector<64x128xi32>
      %shift_right_logical3A_46 = arith.constant 17 : i32
      %shift_right_logical3A_47 = vector.broadcast %shift_right_logical3A_46 : i32 to vector<64x128xi32>
      %shift_right_logical3A_48 = arith.shrui %xor3A, %shift_right_logical3A_47 : vector<64x128xi32>
      %or3A_49 = arith.ori %shift_left3A_45, %shift_right_logical3A_48 : vector<64x128xi32>
      %xor3A_50 = arith.xori %or3A_49, %add3A_42 : vector<64x128xi32>
      %add3A_51 = arith.addi %add3A_42, %xor3A_50 : vector<64x128xi32>
      %shift_left3A_52 = arith.constant 26 : i32
      %shift_left3A_53 = vector.broadcast %shift_left3A_52 : i32 to vector<64x128xi32>
      %shift_left3A_54 = arith.shli %xor3A_50, %shift_left3A_53 : vector<64x128xi32>
      %shift_right_logical3A_55 = arith.constant 6 : i32
      %shift_right_logical3A_56 = vector.broadcast %shift_right_logical3A_55 : i32 to vector<64x128xi32>
      %shift_right_logical3A_57 = arith.shrui %xor3A_50, %shift_right_logical3A_56 : vector<64x128xi32>
      %or3A_58 = arith.ori %shift_left3A_54, %shift_right_logical3A_57 : vector<64x128xi32>
      %xor3A_59 = arith.xori %or3A_58, %add3A_51 : vector<64x128xi32>
      %add3A_60 = arith.addi %add3A_51, %xor3A_59 : vector<64x128xi32>
      %shift_left3A_61 = arith.constant 6 : i32
      %shift_left3A_62 = vector.broadcast %shift_left3A_61 : i32 to vector<64x128xi32>
      %shift_left3A_63 = arith.shli %xor3A_59, %shift_left3A_62 : vector<64x128xi32>
      %shift_right_logical3A_64 = arith.constant 26 : i32
      %shift_right_logical3A_65 = vector.broadcast %shift_right_logical3A_64 : i32 to vector<64x128xi32>
      %shift_right_logical3A_66 = arith.shrui %xor3A_59, %shift_right_logical3A_65 : vector<64x128xi32>
      %or3A_67 = arith.ori %shift_left3A_63, %shift_right_logical3A_66 : vector<64x128xi32>
      %xor3A_68 = arith.xori %or3A_67, %add3A_60 : vector<64x128xi32>
      %add3A_69 = arith.constant 42 : i32
      %add3A_70 = vector.broadcast %add3A_69 : i32 to vector<64x128xi32>
      %add3A_71 = arith.addi %add3A_60, %add3A_70 : vector<64x128xi32>
      %add3A_72 = arith.constant 466689008 : i32
      %add3A_73 = vector.broadcast %add3A_72 : i32 to vector<64x128xi32>
      %add3A_74 = arith.addi %xor3A_68, %add3A_73 : vector<64x128xi32>
      %add3A_75 = arith.constant 1 : i32
      %add3A_76 = vector.broadcast %add3A_75 : i32 to vector<64x128xi32>
      %add3A_77 = arith.addi %add3A_74, %add3A_76 : vector<64x128xi32>
      %add3A_78 = arith.addi %add3A_71, %add3A_77 : vector<64x128xi32>
      %shift_left3A_79 = arith.constant 17 : i32
      %shift_left3A_80 = vector.broadcast %shift_left3A_79 : i32 to vector<64x128xi32>
      %shift_left3A_81 = arith.shli %add3A_77, %shift_left3A_80 : vector<64x128xi32>
      %shift_right_logical3A_82 = arith.constant 15 : i32
      %shift_right_logical3A_83 = vector.broadcast %shift_right_logical3A_82 : i32 to vector<64x128xi32>
      %shift_right_logical3A_84 = arith.shrui %add3A_77, %shift_right_logical3A_83 : vector<64x128xi32>
      %or3A_85 = arith.ori %shift_left3A_81, %shift_right_logical3A_84 : vector<64x128xi32>
      %xor3A_86 = arith.xori %or3A_85, %add3A_78 : vector<64x128xi32>
      %add3A_87 = arith.addi %add3A_78, %xor3A_86 : vector<64x128xi32>
      %shift_left3A_88 = arith.constant 29 : i32
      %shift_left3A_89 = vector.broadcast %shift_left3A_88 : i32 to vector<64x128xi32>
      %shift_left3A_90 = arith.shli %xor3A_86, %shift_left3A_89 : vector<64x128xi32>
      %shift_right_logical3A_91 = arith.constant 3 : i32
      %shift_right_logical3A_92 = vector.broadcast %shift_right_logical3A_91 : i32 to vector<64x128xi32>
      %shift_right_logical3A_93 = arith.shrui %xor3A_86, %shift_right_logical3A_92 : vector<64x128xi32>
      %or3A_94 = arith.ori %shift_left3A_90, %shift_right_logical3A_93 : vector<64x128xi32>
      %xor3A_95 = arith.xori %or3A_94, %add3A_87 : vector<64x128xi32>
      %add3A_96 = arith.addi %add3A_87, %xor3A_95 : vector<64x128xi32>
      %shift_left3A_97 = arith.constant 16 : i32
      %shift_left3A_98 = vector.broadcast %shift_left3A_97 : i32 to vector<64x128xi32>
      %shift_left3A_99 = arith.shli %xor3A_95, %shift_left3A_98 : vector<64x128xi32>
      %shift_right_logical3A_100 = arith.constant 16 : i32
      %shift_right_logical3A_101 = vector.broadcast %shift_right_logical3A_100 : i32 to vector<64x128xi32>
      %shift_right_logical3A_102 = arith.shrui %xor3A_95, %shift_right_logical3A_101 : vector<64x128xi32>
      %or3A_103 = arith.ori %shift_left3A_99, %shift_right_logical3A_102 : vector<64x128xi32>
      %xor3A_104 = arith.xori %or3A_103, %add3A_96 : vector<64x128xi32>
      %add3A_105 = arith.addi %add3A_96, %xor3A_104 : vector<64x128xi32>
      %shift_left3A_106 = arith.constant 24 : i32
      %shift_left3A_107 = vector.broadcast %shift_left3A_106 : i32 to vector<64x128xi32>
      %shift_left3A_108 = arith.shli %xor3A_104, %shift_left3A_107 : vector<64x128xi32>
      %shift_right_logical3A_109 = arith.constant 8 : i32
      %shift_right_logical3A_110 = vector.broadcast %shift_right_logical3A_109 : i32 to vector<64x128xi32>
      %shift_right_logical3A_111 = arith.shrui %xor3A_104, %shift_right_logical3A_110 : vector<64x128xi32>
      %or3A_112 = arith.ori %shift_left3A_108, %shift_right_logical3A_111 : vector<64x128xi32>
      %xor3A_113 = arith.xori %or3A_112, %add3A_105 : vector<64x128xi32>
      %add3A_114 = arith.constant 466689008 : i32
      %add3A_115 = vector.broadcast %add3A_114 : i32 to vector<64x128xi32>
      %add3A_116 = arith.addi %add3A_105, %add3A_115 : vector<64x128xi32>
      %add3A_117 = arith.constant 0 : i32
      %add3A_118 = vector.broadcast %add3A_117 : i32 to vector<64x128xi32>
      %add3A_119 = arith.addi %xor3A_113, %add3A_118 : vector<64x128xi32>
      %add3A_120 = arith.constant 2 : i32
      %add3A_121 = vector.broadcast %add3A_120 : i32 to vector<64x128xi32>
      %add3A_122 = arith.addi %add3A_119, %add3A_121 : vector<64x128xi32>
      %add3A_123 = arith.addi %add3A_116, %add3A_122 : vector<64x128xi32>
      %shift_left3A_124 = arith.constant 13 : i32
      %shift_left3A_125 = vector.broadcast %shift_left3A_124 : i32 to vector<64x128xi32>
      %shift_left3A_126 = arith.shli %add3A_122, %shift_left3A_125 : vector<64x128xi32>
      %shift_right_logical3A_127 = arith.constant 19 : i32
      %shift_right_logical3A_128 = vector.broadcast %shift_right_logical3A_127 : i32 to vector<64x128xi32>
      %shift_right_logical3A_129 = arith.shrui %add3A_122, %shift_right_logical3A_128 : vector<64x128xi32>
      %or3A_130 = arith.ori %shift_left3A_126, %shift_right_logical3A_129 : vector<64x128xi32>
      %xor3A_131 = arith.xori %or3A_130, %add3A_123 : vector<64x128xi32>
      %add3A_132 = arith.addi %add3A_123, %xor3A_131 : vector<64x128xi32>
      %shift_left3A_133 = arith.constant 15 : i32
      %shift_left3A_134 = vector.broadcast %shift_left3A_133 : i32 to vector<64x128xi32>
      %shift_left3A_135 = arith.shli %xor3A_131, %shift_left3A_134 : vector<64x128xi32>
      %shift_right_logical3A_136 = arith.constant 17 : i32
      %shift_right_logical3A_137 = vector.broadcast %shift_right_logical3A_136 : i32 to vector<64x128xi32>
      %shift_right_logical3A_138 = arith.shrui %xor3A_131, %shift_right_logical3A_137 : vector<64x128xi32>
      %or3A_139 = arith.ori %shift_left3A_135, %shift_right_logical3A_138 : vector<64x128xi32>
      %xor3A_140 = arith.xori %or3A_139, %add3A_132 : vector<64x128xi32>
      %add3A_141 = arith.addi %add3A_132, %xor3A_140 : vector<64x128xi32>
      %shift_left3A_142 = arith.constant 26 : i32
      %shift_left3A_143 = vector.broadcast %shift_left3A_142 : i32 to vector<64x128xi32>
      %shift_left3A_144 = arith.shli %xor3A_140, %shift_left3A_143 : vector<64x128xi32>
      %shift_right_logical3A_145 = arith.constant 6 : i32
      %shift_right_logical3A_146 = vector.broadcast %shift_right_logical3A_145 : i32 to vector<64x128xi32>
      %shift_right_logical3A_147 = arith.shrui %xor3A_140, %shift_right_logical3A_146 : vector<64x128xi32>
      %or3A_148 = arith.ori %shift_left3A_144, %shift_right_logical3A_147 : vector<64x128xi32>
      %xor3A_149 = arith.xori %or3A_148, %add3A_141 : vector<64x128xi32>
      %add3A_150 = arith.addi %add3A_141, %xor3A_149 : vector<64x128xi32>
      %shift_left3A_151 = arith.constant 6 : i32
      %shift_left3A_152 = vector.broadcast %shift_left3A_151 : i32 to vector<64x128xi32>
      %shift_left3A_153 = arith.shli %xor3A_149, %shift_left3A_152 : vector<64x128xi32>
      %shift_right_logical3A_154 = arith.constant 26 : i32
      %shift_right_logical3A_155 = vector.broadcast %shift_right_logical3A_154 : i32 to vector<64x128xi32>
      %shift_right_logical3A_156 = arith.shrui %xor3A_149, %shift_right_logical3A_155 : vector<64x128xi32>
      %or3A_157 = arith.ori %shift_left3A_153, %shift_right_logical3A_156 : vector<64x128xi32>
      %xor3A_158 = arith.xori %or3A_157, %add3A_150 : vector<64x128xi32>
      %add3A_159 = arith.constant 0 : i32
      %add3A_160 = vector.broadcast %add3A_159 : i32 to vector<64x128xi32>
      %add3A_161 = arith.addi %add3A_150, %add3A_160 : vector<64x128xi32>
      %add3A_162 = arith.constant 42 : i32
      %add3A_163 = vector.broadcast %add3A_162 : i32 to vector<64x128xi32>
      %add3A_164 = arith.addi %xor3A_158, %add3A_163 : vector<64x128xi32>
      %add3A_165 = arith.constant 3 : i32
      %add3A_166 = vector.broadcast %add3A_165 : i32 to vector<64x128xi32>
      %add3A_167 = arith.addi %add3A_164, %add3A_166 : vector<64x128xi32>
      %add3A_168 = arith.addi %add3A_161, %add3A_167 : vector<64x128xi32>
      %shift_left3A_169 = arith.constant 17 : i32
      %shift_left3A_170 = vector.broadcast %shift_left3A_169 : i32 to vector<64x128xi32>
      %shift_left3A_171 = arith.shli %add3A_167, %shift_left3A_170 : vector<64x128xi32>
      %shift_right_logical3A_172 = arith.constant 15 : i32
      %shift_right_logical3A_173 = vector.broadcast %shift_right_logical3A_172 : i32 to vector<64x128xi32>
      %shift_right_logical3A_174 = arith.shrui %add3A_167, %shift_right_logical3A_173 : vector<64x128xi32>
      %or3A_175 = arith.ori %shift_left3A_171, %shift_right_logical3A_174 : vector<64x128xi32>
      %xor3A_176 = arith.xori %or3A_175, %add3A_168 : vector<64x128xi32>
      %add3A_177 = arith.addi %add3A_168, %xor3A_176 : vector<64x128xi32>
      %shift_left3A_178 = arith.constant 29 : i32
      %shift_left3A_179 = vector.broadcast %shift_left3A_178 : i32 to vector<64x128xi32>
      %shift_left3A_180 = arith.shli %xor3A_176, %shift_left3A_179 : vector<64x128xi32>
      %shift_right_logical3A_181 = arith.constant 3 : i32
      %shift_right_logical3A_182 = vector.broadcast %shift_right_logical3A_181 : i32 to vector<64x128xi32>
      %shift_right_logical3A_183 = arith.shrui %xor3A_176, %shift_right_logical3A_182 : vector<64x128xi32>
      %or3A_184 = arith.ori %shift_left3A_180, %shift_right_logical3A_183 : vector<64x128xi32>
      %xor3A_185 = arith.xori %or3A_184, %add3A_177 : vector<64x128xi32>
      %add3A_186 = arith.addi %add3A_177, %xor3A_185 : vector<64x128xi32>
      %shift_left3A_187 = arith.constant 16 : i32
      %shift_left3A_188 = vector.broadcast %shift_left3A_187 : i32 to vector<64x128xi32>
      %shift_left3A_189 = arith.shli %xor3A_185, %shift_left3A_188 : vector<64x128xi32>
      %shift_right_logical3A_190 = arith.constant 16 : i32
      %shift_right_logical3A_191 = vector.broadcast %shift_right_logical3A_190 : i32 to vector<64x128xi32>
      %shift_right_logical3A_192 = arith.shrui %xor3A_185, %shift_right_logical3A_191 : vector<64x128xi32>
      %or3A_193 = arith.ori %shift_left3A_189, %shift_right_logical3A_192 : vector<64x128xi32>
      %xor3A_194 = arith.xori %or3A_193, %add3A_186 : vector<64x128xi32>
      %add3A_195 = arith.addi %add3A_186, %xor3A_194 : vector<64x128xi32>
      %shift_left3A_196 = arith.constant 24 : i32
      %shift_left3A_197 = vector.broadcast %shift_left3A_196 : i32 to vector<64x128xi32>
      %shift_left3A_198 = arith.shli %xor3A_194, %shift_left3A_197 : vector<64x128xi32>
      %shift_right_logical3A_199 = arith.constant 8 : i32
      %shift_right_logical3A_200 = vector.broadcast %shift_right_logical3A_199 : i32 to vector<64x128xi32>
      %shift_right_logical3A_201 = arith.shrui %xor3A_194, %shift_right_logical3A_200 : vector<64x128xi32>
      %or3A_202 = arith.ori %shift_left3A_198, %shift_right_logical3A_201 : vector<64x128xi32>
      %xor3A_203 = arith.xori %or3A_202, %add3A_195 : vector<64x128xi32>
      %add3A_204 = arith.constant 42 : i32
      %add3A_205 = vector.broadcast %add3A_204 : i32 to vector<64x128xi32>
      %add3A_206 = arith.addi %add3A_195, %add3A_205 : vector<64x128xi32>
      %add3A_207 = arith.constant 466689008 : i32
      %add3A_208 = vector.broadcast %add3A_207 : i32 to vector<64x128xi32>
      %add3A_209 = arith.addi %xor3A_203, %add3A_208 : vector<64x128xi32>
      %add3A_210 = arith.constant 4 : i32
      %add3A_211 = vector.broadcast %add3A_210 : i32 to vector<64x128xi32>
      %add3A_212 = arith.addi %add3A_209, %add3A_211 : vector<64x128xi32>
      %add3A_213 = arith.addi %add3A_206, %add3A_212 : vector<64x128xi32>
      %shift_left3A_214 = arith.constant 13 : i32
      %shift_left3A_215 = vector.broadcast %shift_left3A_214 : i32 to vector<64x128xi32>
      %shift_left3A_216 = arith.shli %add3A_212, %shift_left3A_215 : vector<64x128xi32>
      %shift_right_logical3A_217 = arith.constant 19 : i32
      %shift_right_logical3A_218 = vector.broadcast %shift_right_logical3A_217 : i32 to vector<64x128xi32>
      %shift_right_logical3A_219 = arith.shrui %add3A_212, %shift_right_logical3A_218 : vector<64x128xi32>
      %or3A_220 = arith.ori %shift_left3A_216, %shift_right_logical3A_219 : vector<64x128xi32>
      %xor3A_221 = arith.xori %or3A_220, %add3A_213 : vector<64x128xi32>
      %add3A_222 = arith.addi %add3A_213, %xor3A_221 : vector<64x128xi32>
      %shift_left3A_223 = arith.constant 15 : i32
      %shift_left3A_224 = vector.broadcast %shift_left3A_223 : i32 to vector<64x128xi32>
      %shift_left3A_225 = arith.shli %xor3A_221, %shift_left3A_224 : vector<64x128xi32>
      %shift_right_logical3A_226 = arith.constant 17 : i32
      %shift_right_logical3A_227 = vector.broadcast %shift_right_logical3A_226 : i32 to vector<64x128xi32>
      %shift_right_logical3A_228 = arith.shrui %xor3A_221, %shift_right_logical3A_227 : vector<64x128xi32>
      %or3A_229 = arith.ori %shift_left3A_225, %shift_right_logical3A_228 : vector<64x128xi32>
      %xor3A_230 = arith.xori %or3A_229, %add3A_222 : vector<64x128xi32>
      %add3A_231 = arith.addi %add3A_222, %xor3A_230 : vector<64x128xi32>
      %shift_left3A_232 = arith.constant 26 : i32
      %shift_left3A_233 = vector.broadcast %shift_left3A_232 : i32 to vector<64x128xi32>
      %shift_left3A_234 = arith.shli %xor3A_230, %shift_left3A_233 : vector<64x128xi32>
      %shift_right_logical3A_235 = arith.constant 6 : i32
      %shift_right_logical3A_236 = vector.broadcast %shift_right_logical3A_235 : i32 to vector<64x128xi32>
      %shift_right_logical3A_237 = arith.shrui %xor3A_230, %shift_right_logical3A_236 : vector<64x128xi32>
      %or3A_238 = arith.ori %shift_left3A_234, %shift_right_logical3A_237 : vector<64x128xi32>
      %xor3A_239 = arith.xori %or3A_238, %add3A_231 : vector<64x128xi32>
      %add3A_240 = arith.addi %add3A_231, %xor3A_239 : vector<64x128xi32>
      %shift_left3A_241 = arith.constant 6 : i32
      %shift_left3A_242 = vector.broadcast %shift_left3A_241 : i32 to vector<64x128xi32>
      %shift_left3A_243 = arith.shli %xor3A_239, %shift_left3A_242 : vector<64x128xi32>
      %shift_right_logical3A_244 = arith.constant 26 : i32
      %shift_right_logical3A_245 = vector.broadcast %shift_right_logical3A_244 : i32 to vector<64x128xi32>
      %shift_right_logical3A_246 = arith.shrui %xor3A_239, %shift_right_logical3A_245 : vector<64x128xi32>
      %or3A_247 = arith.ori %shift_left3A_243, %shift_right_logical3A_246 : vector<64x128xi32>
      %xor3A_248 = arith.xori %or3A_247, %add3A_240 : vector<64x128xi32>
      %add3A_249 = arith.constant 466689008 : i32
      %add3A_250 = vector.broadcast %add3A_249 : i32 to vector<64x128xi32>
      %add3A_251 = arith.addi %add3A_240, %add3A_250 : vector<64x128xi32>
      %add3A_252 = arith.constant 0 : i32
      %add3A_253 = vector.broadcast %add3A_252 : i32 to vector<64x128xi32>
      %add3A_254 = arith.addi %xor3A_248, %add3A_253 : vector<64x128xi32>
      %add3A_255 = arith.constant 5 : i32
      %add3A_256 = vector.broadcast %add3A_255 : i32 to vector<64x128xi32>
      %add3A_257 = arith.addi %add3A_254, %add3A_256 : vector<64x128xi32>
      %xor3A_258 = arith.xori %add3A_251, %add3A_257 : vector<64x128xi32>
      %shift_right_logical3A_259 = arith.constant 9 : i32
      %shift_right_logical3A_260 = vector.broadcast %shift_right_logical3A_259 : i32 to vector<64x128xi32>
      %shift_right_logical3A_261 = arith.shrui %xor3A_258, %shift_right_logical3A_260 : vector<64x128xi32>
      %or3A_262 = arith.constant 1065353216 : i32
      %or3A_263 = vector.broadcast %or3A_262 : i32 to vector<64x128xi32>
      %or3A_264 = arith.ori %shift_right_logical3A_261, %or3A_263 : vector<64x128xi32>
      %bitcast_convert_type3A = tpu.bitcast %or3A_264 : vector<64x128xi32> -> vector<64x128xf32>
      %sub3A = arith.constant 1.000000e+00 : f32
      %sub3A_265 = vector.broadcast %sub3A : f32 to vector<64x128xf32>
      %sub3A_266 = arith.subf %bitcast_convert_type3A, %sub3A_265 : vector<64x128xf32>
      %max3A = vector.broadcast %scan3A : f32 to vector<64x128xf32>
      %max3A_267 = arith.maximumf %sub3A_266, %max3A : vector<64x128xf32>
      %log3A = math.log %max3A_267 : vector<64x128xf32>
      %neg3A = arith.constant 0.000000e+00 : f32
      %neg3A_268 = vector.broadcast %neg3A : f32 to vector<64x128xf32>
      %neg3A_269 = arith.subf %neg3A_268, %log3A : vector<64x128xf32>
      %log3A_270 = math.log %neg3A_269 : vector<64x128xf32>
      %neg3A_271 = arith.constant 0.000000e+00 : f32
      %neg3A_272 = vector.broadcast %neg3A_271 : f32 to vector<64x128xf32>
      %neg3A_273 = arith.subf %neg3A_272, %log3A_270 : vector<64x128xf32>
      %mul3A_274 = arith.constant 4 : i32
      %mul3A_275 = arith.muli %scan3A_29, %mul3A_274 : i32
      %add3A_276 = arith.constant 0 : i32
      %add3A_277 = arith.addi %mul3A_275, %add3A_276 : i32
      %get3A = arith.index_cast %add3A_277 : i32 to index
      %get3A_278 = arith.constant 0 : index
      %get3A_279 = vector.load %arg1[%get3A, %get3A_278] : memref<512x128xf32, #tpu.memory_space<vmem>>, vector<1x128xf32>
      %add3A_280 = vector.broadcast %get3A_279 : vector<1x128xf32> to vector<64x128xf32>
      %add3A_281 = arith.addf %neg3A_273, %add3A_280 : vector<64x128xf32>
      %add3A_282 = vector.broadcast %add3A_35 : i32 to vector<64x128xi32>
      %add3A_283 = arith.addi %add3A_282, %iota3A_0 : vector<64x128xi32>
      %mul3A_284 = arith.constant 512 : i32
      %mul3A_285 = arith.muli %scan3A_29, %mul3A_284 : i32
      %add3A_286 = arith.constant 128 : i32
      %add3A_287 = arith.addi %mul3A_285, %add3A_286 : i32
      %add3A_288 = vector.broadcast %add3A_287 : i32 to vector<64x128xi32>
      %add3A_289 = arith.addi %add3A_9, %add3A_288 : vector<64x128xi32>
      %shift_left3A_290 = arith.constant 13 : i32
      %shift_left3A_291 = vector.broadcast %shift_left3A_290 : i32 to vector<64x128xi32>
      %shift_left3A_292 = arith.shli %add3A_289, %shift_left3A_291 : vector<64x128xi32>
      %shift_right_logical3A_293 = arith.constant 19 : i32
      %shift_right_logical3A_294 = vector.broadcast %shift_right_logical3A_293 : i32 to vector<64x128xi32>
      %shift_right_logical3A_295 = arith.shrui %add3A_289, %shift_right_logical3A_294 : vector<64x128xi32>
      %or3A_296 = arith.ori %shift_left3A_292, %shift_right_logical3A_295 : vector<64x128xi32>
      %xor3A_297 = arith.xori %or3A_296, %add3A_289 : vector<64x128xi32>
      %add3A_298 = arith.addi %add3A_289, %xor3A_297 : vector<64x128xi32>
      %shift_left3A_299 = arith.constant 15 : i32
      %shift_left3A_300 = vector.broadcast %shift_left3A_299 : i32 to vector<64x128xi32>
      %shift_left3A_301 = arith.shli %xor3A_297, %shift_left3A_300 : vector<64x128xi32>
      %shift_right_logical3A_302 = arith.constant 17 : i32
      %shift_right_logical3A_303 = vector.broadcast %shift_right_logical3A_302 : i32 to vector<64x128xi32>
      %shift_right_logical3A_304 = arith.shrui %xor3A_297, %shift_right_logical3A_303 : vector<64x128xi32>
      %or3A_305 = arith.ori %shift_left3A_301, %shift_right_logical3A_304 : vector<64x128xi32>
      %xor3A_306 = arith.xori %or3A_305, %add3A_298 : vector<64x128xi32>
      %add3A_307 = arith.addi %add3A_298, %xor3A_306 : vector<64x128xi32>
      %shift_left3A_308 = arith.constant 26 : i32
      %shift_left3A_309 = vector.broadcast %shift_left3A_308 : i32 to vector<64x128xi32>
      %shift_left3A_310 = arith.shli %xor3A_306, %shift_left3A_309 : vector<64x128xi32>
      %shift_right_logical3A_311 = arith.constant 6 : i32
      %shift_right_logical3A_312 = vector.broadcast %shift_right_logical3A_311 : i32 to vector<64x128xi32>
      %shift_right_logical3A_313 = arith.shrui %xor3A_306, %shift_right_logical3A_312 : vector<64x128xi32>
      %or3A_314 = arith.ori %shift_left3A_310, %shift_right_logical3A_313 : vector<64x128xi32>
      %xor3A_315 = arith.xori %or3A_314, %add3A_307 : vector<64x128xi32>
      %add3A_316 = arith.addi %add3A_307, %xor3A_315 : vector<64x128xi32>
      %shift_left3A_317 = arith.constant 6 : i32
      %shift_left3A_318 = vector.broadcast %shift_left3A_317 : i32 to vector<64x128xi32>
      %shift_left3A_319 = arith.shli %xor3A_315, %shift_left3A_318 : vector<64x128xi32>
      %shift_right_logical3A_320 = arith.constant 26 : i32
      %shift_right_logical3A_321 = vector.broadcast %shift_right_logical3A_320 : i32 to vector<64x128xi32>
      %shift_right_logical3A_322 = arith.shrui %xor3A_315, %shift_right_logical3A_321 : vector<64x128xi32>
      %or3A_323 = arith.ori %shift_left3A_319, %shift_right_logical3A_322 : vector<64x128xi32>
      %xor3A_324 = arith.xori %or3A_323, %add3A_316 : vector<64x128xi32>
      %add3A_325 = arith.constant 42 : i32
      %add3A_326 = vector.broadcast %add3A_325 : i32 to vector<64x128xi32>
      %add3A_327 = arith.addi %add3A_316, %add3A_326 : vector<64x128xi32>
      %add3A_328 = arith.constant 466689008 : i32
      %add3A_329 = vector.broadcast %add3A_328 : i32 to vector<64x128xi32>
      %add3A_330 = arith.addi %xor3A_324, %add3A_329 : vector<64x128xi32>
      %add3A_331 = arith.constant 1 : i32
      %add3A_332 = vector.broadcast %add3A_331 : i32 to vector<64x128xi32>
      %add3A_333 = arith.addi %add3A_330, %add3A_332 : vector<64x128xi32>
      %add3A_334 = arith.addi %add3A_327, %add3A_333 : vector<64x128xi32>
      %shift_left3A_335 = arith.constant 17 : i32
      %shift_left3A_336 = vector.broadcast %shift_left3A_335 : i32 to vector<64x128xi32>
      %shift_left3A_337 = arith.shli %add3A_333, %shift_left3A_336 : vector<64x128xi32>
      %shift_right_logical3A_338 = arith.constant 15 : i32
      %shift_right_logical3A_339 = vector.broadcast %shift_right_logical3A_338 : i32 to vector<64x128xi32>
      %shift_right_logical3A_340 = arith.shrui %add3A_333, %shift_right_logical3A_339 : vector<64x128xi32>
      %or3A_341 = arith.ori %shift_left3A_337, %shift_right_logical3A_340 : vector<64x128xi32>
      %xor3A_342 = arith.xori %or3A_341, %add3A_334 : vector<64x128xi32>
      %add3A_343 = arith.addi %add3A_334, %xor3A_342 : vector<64x128xi32>
      %shift_left3A_344 = arith.constant 29 : i32
      %shift_left3A_345 = vector.broadcast %shift_left3A_344 : i32 to vector<64x128xi32>
      %shift_left3A_346 = arith.shli %xor3A_342, %shift_left3A_345 : vector<64x128xi32>
      %shift_right_logical3A_347 = arith.constant 3 : i32
      %shift_right_logical3A_348 = vector.broadcast %shift_right_logical3A_347 : i32 to vector<64x128xi32>
      %shift_right_logical3A_349 = arith.shrui %xor3A_342, %shift_right_logical3A_348 : vector<64x128xi32>
      %or3A_350 = arith.ori %shift_left3A_346, %shift_right_logical3A_349 : vector<64x128xi32>
      %xor3A_351 = arith.xori %or3A_350, %add3A_343 : vector<64x128xi32>
      %add3A_352 = arith.addi %add3A_343, %xor3A_351 : vector<64x128xi32>
      %shift_left3A_353 = arith.constant 16 : i32
      %shift_left3A_354 = vector.broadcast %shift_left3A_353 : i32 to vector<64x128xi32>
      %shift_left3A_355 = arith.shli %xor3A_351, %shift_left3A_354 : vector<64x128xi32>
      %shift_right_logical3A_356 = arith.constant 16 : i32
      %shift_right_logical3A_357 = vector.broadcast %shift_right_logical3A_356 : i32 to vector<64x128xi32>
      %shift_right_logical3A_358 = arith.shrui %xor3A_351, %shift_right_logical3A_357 : vector<64x128xi32>
      %or3A_359 = arith.ori %shift_left3A_355, %shift_right_logical3A_358 : vector<64x128xi32>
      %xor3A_360 = arith.xori %or3A_359, %add3A_352 : vector<64x128xi32>
      %add3A_361 = arith.addi %add3A_352, %xor3A_360 : vector<64x128xi32>
      %shift_left3A_362 = arith.constant 24 : i32
      %shift_left3A_363 = vector.broadcast %shift_left3A_362 : i32 to vector<64x128xi32>
      %shift_left3A_364 = arith.shli %xor3A_360, %shift_left3A_363 : vector<64x128xi32>
      %shift_right_logical3A_365 = arith.constant 8 : i32
      %shift_right_logical3A_366 = vector.broadcast %shift_right_logical3A_365 : i32 to vector<64x128xi32>
      %shift_right_logical3A_367 = arith.shrui %xor3A_360, %shift_right_logical3A_366 : vector<64x128xi32>
      %or3A_368 = arith.ori %shift_left3A_364, %shift_right_logical3A_367 : vector<64x128xi32>
      %xor3A_369 = arith.xori %or3A_368, %add3A_361 : vector<64x128xi32>
      %add3A_370 = arith.constant 466689008 : i32
      %add3A_371 = vector.broadcast %add3A_370 : i32 to vector<64x128xi32>
      %add3A_372 = arith.addi %add3A_361, %add3A_371 : vector<64x128xi32>
      %add3A_373 = arith.constant 0 : i32
      %add3A_374 = vector.broadcast %add3A_373 : i32 to vector<64x128xi32>
      %add3A_375 = arith.addi %xor3A_369, %add3A_374 : vector<64x128xi32>
      %add3A_376 = arith.constant 2 : i32
      %add3A_377 = vector.broadcast %add3A_376 : i32 to vector<64x128xi32>
      %add3A_378 = arith.addi %add3A_375, %add3A_377 : vector<64x128xi32>
      %add3A_379 = arith.addi %add3A_372, %add3A_378 : vector<64x128xi32>
      %shift_left3A_380 = arith.constant 13 : i32
      %shift_left3A_381 = vector.broadcast %shift_left3A_380 : i32 to vector<64x128xi32>
      %shift_left3A_382 = arith.shli %add3A_378, %shift_left3A_381 : vector<64x128xi32>
      %shift_right_logical3A_383 = arith.constant 19 : i32
      %shift_right_logical3A_384 = vector.broadcast %shift_right_logical3A_383 : i32 to vector<64x128xi32>
      %shift_right_logical3A_385 = arith.shrui %add3A_378, %shift_right_logical3A_384 : vector<64x128xi32>
      %or3A_386 = arith.ori %shift_left3A_382, %shift_right_logical3A_385 : vector<64x128xi32>
      %xor3A_387 = arith.xori %or3A_386, %add3A_379 : vector<64x128xi32>
      %add3A_388 = arith.addi %add3A_379, %xor3A_387 : vector<64x128xi32>
      %shift_left3A_389 = arith.constant 15 : i32
      %shift_left3A_390 = vector.broadcast %shift_left3A_389 : i32 to vector<64x128xi32>
      %shift_left3A_391 = arith.shli %xor3A_387, %shift_left3A_390 : vector<64x128xi32>
      %shift_right_logical3A_392 = arith.constant 17 : i32
      %shift_right_logical3A_393 = vector.broadcast %shift_right_logical3A_392 : i32 to vector<64x128xi32>
      %shift_right_logical3A_394 = arith.shrui %xor3A_387, %shift_right_logical3A_393 : vector<64x128xi32>
      %or3A_395 = arith.ori %shift_left3A_391, %shift_right_logical3A_394 : vector<64x128xi32>
      %xor3A_396 = arith.xori %or3A_395, %add3A_388 : vector<64x128xi32>
      %add3A_397 = arith.addi %add3A_388, %xor3A_396 : vector<64x128xi32>
      %shift_left3A_398 = arith.constant 26 : i32
      %shift_left3A_399 = vector.broadcast %shift_left3A_398 : i32 to vector<64x128xi32>
      %shift_left3A_400 = arith.shli %xor3A_396, %shift_left3A_399 : vector<64x128xi32>
      %shift_right_logical3A_401 = arith.constant 6 : i32
      %shift_right_logical3A_402 = vector.broadcast %shift_right_logical3A_401 : i32 to vector<64x128xi32>
      %shift_right_logical3A_403 = arith.shrui %xor3A_396, %shift_right_logical3A_402 : vector<64x128xi32>
      %or3A_404 = arith.ori %shift_left3A_400, %shift_right_logical3A_403 : vector<64x128xi32>
      %xor3A_405 = arith.xori %or3A_404, %add3A_397 : vector<64x128xi32>
      %add3A_406 = arith.addi %add3A_397, %xor3A_405 : vector<64x128xi32>
      %shift_left3A_407 = arith.constant 6 : i32
      %shift_left3A_408 = vector.broadcast %shift_left3A_407 : i32 to vector<64x128xi32>
      %shift_left3A_409 = arith.shli %xor3A_405, %shift_left3A_408 : vector<64x128xi32>
      %shift_right_logical3A_410 = arith.constant 26 : i32
      %shift_right_logical3A_411 = vector.broadcast %shift_right_logical3A_410 : i32 to vector<64x128xi32>
      %shift_right_logical3A_412 = arith.shrui %xor3A_405, %shift_right_logical3A_411 : vector<64x128xi32>
      %or3A_413 = arith.ori %shift_left3A_409, %shift_right_logical3A_412 : vector<64x128xi32>
      %xor3A_414 = arith.xori %or3A_413, %add3A_406 : vector<64x128xi32>
      %add3A_415 = arith.constant 0 : i32
      %add3A_416 = vector.broadcast %add3A_415 : i32 to vector<64x128xi32>
      %add3A_417 = arith.addi %add3A_406, %add3A_416 : vector<64x128xi32>
      %add3A_418 = arith.constant 42 : i32
      %add3A_419 = vector.broadcast %add3A_418 : i32 to vector<64x128xi32>
      %add3A_420 = arith.addi %xor3A_414, %add3A_419 : vector<64x128xi32>
      %add3A_421 = arith.constant 3 : i32
      %add3A_422 = vector.broadcast %add3A_421 : i32 to vector<64x128xi32>
      %add3A_423 = arith.addi %add3A_420, %add3A_422 : vector<64x128xi32>
      %add3A_424 = arith.addi %add3A_417, %add3A_423 : vector<64x128xi32>
      %shift_left3A_425 = arith.constant 17 : i32
      %shift_left3A_426 = vector.broadcast %shift_left3A_425 : i32 to vector<64x128xi32>
      %shift_left3A_427 = arith.shli %add3A_423, %shift_left3A_426 : vector<64x128xi32>
      %shift_right_logical3A_428 = arith.constant 15 : i32
      %shift_right_logical3A_429 = vector.broadcast %shift_right_logical3A_428 : i32 to vector<64x128xi32>
      %shift_right_logical3A_430 = arith.shrui %add3A_423, %shift_right_logical3A_429 : vector<64x128xi32>
      %or3A_431 = arith.ori %shift_left3A_427, %shift_right_logical3A_430 : vector<64x128xi32>
      %xor3A_432 = arith.xori %or3A_431, %add3A_424 : vector<64x128xi32>
      %add3A_433 = arith.addi %add3A_424, %xor3A_432 : vector<64x128xi32>
      %shift_left3A_434 = arith.constant 29 : i32
      %shift_left3A_435 = vector.broadcast %shift_left3A_434 : i32 to vector<64x128xi32>
      %shift_left3A_436 = arith.shli %xor3A_432, %shift_left3A_435 : vector<64x128xi32>
      %shift_right_logical3A_437 = arith.constant 3 : i32
      %shift_right_logical3A_438 = vector.broadcast %shift_right_logical3A_437 : i32 to vector<64x128xi32>
      %shift_right_logical3A_439 = arith.shrui %xor3A_432, %shift_right_logical3A_438 : vector<64x128xi32>
      %or3A_440 = arith.ori %shift_left3A_436, %shift_right_logical3A_439 : vector<64x128xi32>
      %xor3A_441 = arith.xori %or3A_440, %add3A_433 : vector<64x128xi32>
      %add3A_442 = arith.addi %add3A_433, %xor3A_441 : vector<64x128xi32>
      %shift_left3A_443 = arith.constant 16 : i32
      %shift_left3A_444 = vector.broadcast %shift_left3A_443 : i32 to vector<64x128xi32>
      %shift_left3A_445 = arith.shli %xor3A_441, %shift_left3A_444 : vector<64x128xi32>
      %shift_right_logical3A_446 = arith.constant 16 : i32
      %shift_right_logical3A_447 = vector.broadcast %shift_right_logical3A_446 : i32 to vector<64x128xi32>
      %shift_right_logical3A_448 = arith.shrui %xor3A_441, %shift_right_logical3A_447 : vector<64x128xi32>
      %or3A_449 = arith.ori %shift_left3A_445, %shift_right_logical3A_448 : vector<64x128xi32>
      %xor3A_450 = arith.xori %or3A_449, %add3A_442 : vector<64x128xi32>
      %add3A_451 = arith.addi %add3A_442, %xor3A_450 : vector<64x128xi32>
      %shift_left3A_452 = arith.constant 24 : i32
      %shift_left3A_453 = vector.broadcast %shift_left3A_452 : i32 to vector<64x128xi32>
      %shift_left3A_454 = arith.shli %xor3A_450, %shift_left3A_453 : vector<64x128xi32>
      %shift_right_logical3A_455 = arith.constant 8 : i32
      %shift_right_logical3A_456 = vector.broadcast %shift_right_logical3A_455 : i32 to vector<64x128xi32>
      %shift_right_logical3A_457 = arith.shrui %xor3A_450, %shift_right_logical3A_456 : vector<64x128xi32>
      %or3A_458 = arith.ori %shift_left3A_454, %shift_right_logical3A_457 : vector<64x128xi32>
      %xor3A_459 = arith.xori %or3A_458, %add3A_451 : vector<64x128xi32>
      %add3A_460 = arith.constant 42 : i32
      %add3A_461 = vector.broadcast %add3A_460 : i32 to vector<64x128xi32>
      %add3A_462 = arith.addi %add3A_451, %add3A_461 : vector<64x128xi32>
      %add3A_463 = arith.constant 466689008 : i32
      %add3A_464 = vector.broadcast %add3A_463 : i32 to vector<64x128xi32>
      %add3A_465 = arith.addi %xor3A_459, %add3A_464 : vector<64x128xi32>
      %add3A_466 = arith.constant 4 : i32
      %add3A_467 = vector.broadcast %add3A_466 : i32 to vector<64x128xi32>
      %add3A_468 = arith.addi %add3A_465, %add3A_467 : vector<64x128xi32>
      %add3A_469 = arith.addi %add3A_462, %add3A_468 : vector<64x128xi32>
      %shift_left3A_470 = arith.constant 13 : i32
      %shift_left3A_471 = vector.broadcast %shift_left3A_470 : i32 to vector<64x128xi32>
      %shift_left3A_472 = arith.shli %add3A_468, %shift_left3A_471 : vector<64x128xi32>
      %shift_right_logical3A_473 = arith.constant 19 : i32
      %shift_right_logical3A_474 = vector.broadcast %shift_right_logical3A_473 : i32 to vector<64x128xi32>
      %shift_right_logical3A_475 = arith.shrui %add3A_468, %shift_right_logical3A_474 : vector<64x128xi32>
      %or3A_476 = arith.ori %shift_left3A_472, %shift_right_logical3A_475 : vector<64x128xi32>
      %xor3A_477 = arith.xori %or3A_476, %add3A_469 : vector<64x128xi32>
      %add3A_478 = arith.addi %add3A_469, %xor3A_477 : vector<64x128xi32>
      %shift_left3A_479 = arith.constant 15 : i32
      %shift_left3A_480 = vector.broadcast %shift_left3A_479 : i32 to vector<64x128xi32>
      %shift_left3A_481 = arith.shli %xor3A_477, %shift_left3A_480 : vector<64x128xi32>
      %shift_right_logical3A_482 = arith.constant 17 : i32
      %shift_right_logical3A_483 = vector.broadcast %shift_right_logical3A_482 : i32 to vector<64x128xi32>
      %shift_right_logical3A_484 = arith.shrui %xor3A_477, %shift_right_logical3A_483 : vector<64x128xi32>
      %or3A_485 = arith.ori %shift_left3A_481, %shift_right_logical3A_484 : vector<64x128xi32>
      %xor3A_486 = arith.xori %or3A_485, %add3A_478 : vector<64x128xi32>
      %add3A_487 = arith.addi %add3A_478, %xor3A_486 : vector<64x128xi32>
      %shift_left3A_488 = arith.constant 26 : i32
      %shift_left3A_489 = vector.broadcast %shift_left3A_488 : i32 to vector<64x128xi32>
      %shift_left3A_490 = arith.shli %xor3A_486, %shift_left3A_489 : vector<64x128xi32>
      %shift_right_logical3A_491 = arith.constant 6 : i32
      %shift_right_logical3A_492 = vector.broadcast %shift_right_logical3A_491 : i32 to vector<64x128xi32>
      %shift_right_logical3A_493 = arith.shrui %xor3A_486, %shift_right_logical3A_492 : vector<64x128xi32>
      %or3A_494 = arith.ori %shift_left3A_490, %shift_right_logical3A_493 : vector<64x128xi32>
      %xor3A_495 = arith.xori %or3A_494, %add3A_487 : vector<64x128xi32>
      %add3A_496 = arith.addi %add3A_487, %xor3A_495 : vector<64x128xi32>
      %shift_left3A_497 = arith.constant 6 : i32
      %shift_left3A_498 = vector.broadcast %shift_left3A_497 : i32 to vector<64x128xi32>
      %shift_left3A_499 = arith.shli %xor3A_495, %shift_left3A_498 : vector<64x128xi32>
      %shift_right_logical3A_500 = arith.constant 26 : i32
      %shift_right_logical3A_501 = vector.broadcast %shift_right_logical3A_500 : i32 to vector<64x128xi32>
      %shift_right_logical3A_502 = arith.shrui %xor3A_495, %shift_right_logical3A_501 : vector<64x128xi32>
      %or3A_503 = arith.ori %shift_left3A_499, %shift_right_logical3A_502 : vector<64x128xi32>
      %xor3A_504 = arith.xori %or3A_503, %add3A_496 : vector<64x128xi32>
      %add3A_505 = arith.constant 466689008 : i32
      %add3A_506 = vector.broadcast %add3A_505 : i32 to vector<64x128xi32>
      %add3A_507 = arith.addi %add3A_496, %add3A_506 : vector<64x128xi32>
      %add3A_508 = arith.constant 0 : i32
      %add3A_509 = vector.broadcast %add3A_508 : i32 to vector<64x128xi32>
      %add3A_510 = arith.addi %xor3A_504, %add3A_509 : vector<64x128xi32>
      %add3A_511 = arith.constant 5 : i32
      %add3A_512 = vector.broadcast %add3A_511 : i32 to vector<64x128xi32>
      %add3A_513 = arith.addi %add3A_510, %add3A_512 : vector<64x128xi32>
      %xor3A_514 = arith.xori %add3A_507, %add3A_513 : vector<64x128xi32>
      %shift_right_logical3A_515 = arith.constant 9 : i32
      %shift_right_logical3A_516 = vector.broadcast %shift_right_logical3A_515 : i32 to vector<64x128xi32>
      %shift_right_logical3A_517 = arith.shrui %xor3A_514, %shift_right_logical3A_516 : vector<64x128xi32>
      %or3A_518 = arith.constant 1065353216 : i32
      %or3A_519 = vector.broadcast %or3A_518 : i32 to vector<64x128xi32>
      %or3A_520 = arith.ori %shift_right_logical3A_517, %or3A_519 : vector<64x128xi32>
      %bitcast_convert_type3A_521 = tpu.bitcast %or3A_520 : vector<64x128xi32> -> vector<64x128xf32>
      %sub3A_522 = arith.constant 1.000000e+00 : f32
      %sub3A_523 = vector.broadcast %sub3A_522 : f32 to vector<64x128xf32>
      %sub3A_524 = arith.subf %bitcast_convert_type3A_521, %sub3A_523 : vector<64x128xf32>
      %max3A_525 = vector.broadcast %scan3A : f32 to vector<64x128xf32>
      %max3A_526 = arith.maximumf %sub3A_524, %max3A_525 : vector<64x128xf32>
      %log3A_527 = math.log %max3A_526 : vector<64x128xf32>
      %neg3A_528 = arith.constant 0.000000e+00 : f32
      %neg3A_529 = vector.broadcast %neg3A_528 : f32 to vector<64x128xf32>
      %neg3A_530 = arith.subf %neg3A_529, %log3A_527 : vector<64x128xf32>
      %log3A_531 = math.log %neg3A_530 : vector<64x128xf32>
      %neg3A_532 = arith.constant 0.000000e+00 : f32
      %neg3A_533 = vector.broadcast %neg3A_532 : f32 to vector<64x128xf32>
      %neg3A_534 = arith.subf %neg3A_533, %log3A_531 : vector<64x128xf32>
      %mul3A_535 = arith.constant 4 : i32
      %mul3A_536 = arith.muli %scan3A_29, %mul3A_535 : i32
      %add3A_537 = arith.constant 1 : i32
      %add3A_538 = arith.addi %mul3A_536, %add3A_537 : i32
      %get3A_539 = arith.index_cast %add3A_538 : i32 to index
      %get3A_540 = arith.constant 0 : index
      %get3A_541 = vector.load %arg1[%get3A_539, %get3A_540] : memref<512x128xf32, #tpu.memory_space<vmem>>, vector<1x128xf32>
      %add3A_542 = vector.broadcast %get3A_541 : vector<1x128xf32> to vector<64x128xf32>
      %add3A_543 = arith.addf %neg3A_534, %add3A_542 : vector<64x128xf32>
      %add3A_544 = vector.broadcast %add3A_287 : i32 to vector<64x128xi32>
      %add3A_545 = arith.addi %add3A_544, %iota3A_0 : vector<64x128xi32>
      %mul3A_546 = arith.constant 512 : i32
      %mul3A_547 = arith.muli %scan3A_29, %mul3A_546 : i32
      %add3A_548 = arith.constant 256 : i32
      %add3A_549 = arith.addi %mul3A_547, %add3A_548 : i32
      %add3A_550 = vector.broadcast %add3A_549 : i32 to vector<64x128xi32>
      %add3A_551 = arith.addi %add3A_9, %add3A_550 : vector<64x128xi32>
      %shift_left3A_552 = arith.constant 13 : i32
      %shift_left3A_553 = vector.broadcast %shift_left3A_552 : i32 to vector<64x128xi32>
      %shift_left3A_554 = arith.shli %add3A_551, %shift_left3A_553 : vector<64x128xi32>
      %shift_right_logical3A_555 = arith.constant 19 : i32
      %shift_right_logical3A_556 = vector.broadcast %shift_right_logical3A_555 : i32 to vector<64x128xi32>
      %shift_right_logical3A_557 = arith.shrui %add3A_551, %shift_right_logical3A_556 : vector<64x128xi32>
      %or3A_558 = arith.ori %shift_left3A_554, %shift_right_logical3A_557 : vector<64x128xi32>
      %xor3A_559 = arith.xori %or3A_558, %add3A_551 : vector<64x128xi32>
      %add3A_560 = arith.addi %add3A_551, %xor3A_559 : vector<64x128xi32>
      %shift_left3A_561 = arith.constant 15 : i32
      %shift_left3A_562 = vector.broadcast %shift_left3A_561 : i32 to vector<64x128xi32>
      %shift_left3A_563 = arith.shli %xor3A_559, %shift_left3A_562 : vector<64x128xi32>
      %shift_right_logical3A_564 = arith.constant 17 : i32
      %shift_right_logical3A_565 = vector.broadcast %shift_right_logical3A_564 : i32 to vector<64x128xi32>
      %shift_right_logical3A_566 = arith.shrui %xor3A_559, %shift_right_logical3A_565 : vector<64x128xi32>
      %or3A_567 = arith.ori %shift_left3A_563, %shift_right_logical3A_566 : vector<64x128xi32>
      %xor3A_568 = arith.xori %or3A_567, %add3A_560 : vector<64x128xi32>
      %add3A_569 = arith.addi %add3A_560, %xor3A_568 : vector<64x128xi32>
      %shift_left3A_570 = arith.constant 26 : i32
      %shift_left3A_571 = vector.broadcast %shift_left3A_570 : i32 to vector<64x128xi32>
      %shift_left3A_572 = arith.shli %xor3A_568, %shift_left3A_571 : vector<64x128xi32>
      %shift_right_logical3A_573 = arith.constant 6 : i32
      %shift_right_logical3A_574 = vector.broadcast %shift_right_logical3A_573 : i32 to vector<64x128xi32>
      %shift_right_logical3A_575 = arith.shrui %xor3A_568, %shift_right_logical3A_574 : vector<64x128xi32>
      %or3A_576 = arith.ori %shift_left3A_572, %shift_right_logical3A_575 : vector<64x128xi32>
      %xor3A_577 = arith.xori %or3A_576, %add3A_569 : vector<64x128xi32>
      %add3A_578 = arith.addi %add3A_569, %xor3A_577 : vector<64x128xi32>
      %shift_left3A_579 = arith.constant 6 : i32
      %shift_left3A_580 = vector.broadcast %shift_left3A_579 : i32 to vector<64x128xi32>
      %shift_left3A_581 = arith.shli %xor3A_577, %shift_left3A_580 : vector<64x128xi32>
      %shift_right_logical3A_582 = arith.constant 26 : i32
      %shift_right_logical3A_583 = vector.broadcast %shift_right_logical3A_582 : i32 to vector<64x128xi32>
      %shift_right_logical3A_584 = arith.shrui %xor3A_577, %shift_right_logical3A_583 : vector<64x128xi32>
      %or3A_585 = arith.ori %shift_left3A_581, %shift_right_logical3A_584 : vector<64x128xi32>
      %xor3A_586 = arith.xori %or3A_585, %add3A_578 : vector<64x128xi32>
      %add3A_587 = arith.constant 42 : i32
      %add3A_588 = vector.broadcast %add3A_587 : i32 to vector<64x128xi32>
      %add3A_589 = arith.addi %add3A_578, %add3A_588 : vector<64x128xi32>
      %add3A_590 = arith.constant 466689008 : i32
      %add3A_591 = vector.broadcast %add3A_590 : i32 to vector<64x128xi32>
      %add3A_592 = arith.addi %xor3A_586, %add3A_591 : vector<64x128xi32>
      %add3A_593 = arith.constant 1 : i32
      %add3A_594 = vector.broadcast %add3A_593 : i32 to vector<64x128xi32>
      %add3A_595 = arith.addi %add3A_592, %add3A_594 : vector<64x128xi32>
      %add3A_596 = arith.addi %add3A_589, %add3A_595 : vector<64x128xi32>
      %shift_left3A_597 = arith.constant 17 : i32
      %shift_left3A_598 = vector.broadcast %shift_left3A_597 : i32 to vector<64x128xi32>
      %shift_left3A_599 = arith.shli %add3A_595, %shift_left3A_598 : vector<64x128xi32>
      %shift_right_logical3A_600 = arith.constant 15 : i32
      %shift_right_logical3A_601 = vector.broadcast %shift_right_logical3A_600 : i32 to vector<64x128xi32>
      %shift_right_logical3A_602 = arith.shrui %add3A_595, %shift_right_logical3A_601 : vector<64x128xi32>
      %or3A_603 = arith.ori %shift_left3A_599, %shift_right_logical3A_602 : vector<64x128xi32>
      %xor3A_604 = arith.xori %or3A_603, %add3A_596 : vector<64x128xi32>
      %add3A_605 = arith.addi %add3A_596, %xor3A_604 : vector<64x128xi32>
      %shift_left3A_606 = arith.constant 29 : i32
      %shift_left3A_607 = vector.broadcast %shift_left3A_606 : i32 to vector<64x128xi32>
      %shift_left3A_608 = arith.shli %xor3A_604, %shift_left3A_607 : vector<64x128xi32>
      %shift_right_logical3A_609 = arith.constant 3 : i32
      %shift_right_logical3A_610 = vector.broadcast %shift_right_logical3A_609 : i32 to vector<64x128xi32>
      %shift_right_logical3A_611 = arith.shrui %xor3A_604, %shift_right_logical3A_610 : vector<64x128xi32>
      %or3A_612 = arith.ori %shift_left3A_608, %shift_right_logical3A_611 : vector<64x128xi32>
      %xor3A_613 = arith.xori %or3A_612, %add3A_605 : vector<64x128xi32>
      %add3A_614 = arith.addi %add3A_605, %xor3A_613 : vector<64x128xi32>
      %shift_left3A_615 = arith.constant 16 : i32
      %shift_left3A_616 = vector.broadcast %shift_left3A_615 : i32 to vector<64x128xi32>
      %shift_left3A_617 = arith.shli %xor3A_613, %shift_left3A_616 : vector<64x128xi32>
      %shift_right_logical3A_618 = arith.constant 16 : i32
      %shift_right_logical3A_619 = vector.broadcast %shift_right_logical3A_618 : i32 to vector<64x128xi32>
      %shift_right_logical3A_620 = arith.shrui %xor3A_613, %shift_right_logical3A_619 : vector<64x128xi32>
      %or3A_621 = arith.ori %shift_left3A_617, %shift_right_logical3A_620 : vector<64x128xi32>
      %xor3A_622 = arith.xori %or3A_621, %add3A_614 : vector<64x128xi32>
      %add3A_623 = arith.addi %add3A_614, %xor3A_622 : vector<64x128xi32>
      %shift_left3A_624 = arith.constant 24 : i32
      %shift_left3A_625 = vector.broadcast %shift_left3A_624 : i32 to vector<64x128xi32>
      %shift_left3A_626 = arith.shli %xor3A_622, %shift_left3A_625 : vector<64x128xi32>
      %shift_right_logical3A_627 = arith.constant 8 : i32
      %shift_right_logical3A_628 = vector.broadcast %shift_right_logical3A_627 : i32 to vector<64x128xi32>
      %shift_right_logical3A_629 = arith.shrui %xor3A_622, %shift_right_logical3A_628 : vector<64x128xi32>
      %or3A_630 = arith.ori %shift_left3A_626, %shift_right_logical3A_629 : vector<64x128xi32>
      %xor3A_631 = arith.xori %or3A_630, %add3A_623 : vector<64x128xi32>
      %add3A_632 = arith.constant 466689008 : i32
      %add3A_633 = vector.broadcast %add3A_632 : i32 to vector<64x128xi32>
      %add3A_634 = arith.addi %add3A_623, %add3A_633 : vector<64x128xi32>
      %add3A_635 = arith.constant 0 : i32
      %add3A_636 = vector.broadcast %add3A_635 : i32 to vector<64x128xi32>
      %add3A_637 = arith.addi %xor3A_631, %add3A_636 : vector<64x128xi32>
      %add3A_638 = arith.constant 2 : i32
      %add3A_639 = vector.broadcast %add3A_638 : i32 to vector<64x128xi32>
      %add3A_640 = arith.addi %add3A_637, %add3A_639 : vector<64x128xi32>
      %add3A_641 = arith.addi %add3A_634, %add3A_640 : vector<64x128xi32>
      %shift_left3A_642 = arith.constant 13 : i32
      %shift_left3A_643 = vector.broadcast %shift_left3A_642 : i32 to vector<64x128xi32>
      %shift_left3A_644 = arith.shli %add3A_640, %shift_left3A_643 : vector<64x128xi32>
      %shift_right_logical3A_645 = arith.constant 19 : i32
      %shift_right_logical3A_646 = vector.broadcast %shift_right_logical3A_645 : i32 to vector<64x128xi32>
      %shift_right_logical3A_647 = arith.shrui %add3A_640, %shift_right_logical3A_646 : vector<64x128xi32>
      %or3A_648 = arith.ori %shift_left3A_644, %shift_right_logical3A_647 : vector<64x128xi32>
      %xor3A_649 = arith.xori %or3A_648, %add3A_641 : vector<64x128xi32>
      %add3A_650 = arith.addi %add3A_641, %xor3A_649 : vector<64x128xi32>
      %shift_left3A_651 = arith.constant 15 : i32
      %shift_left3A_652 = vector.broadcast %shift_left3A_651 : i32 to vector<64x128xi32>
      %shift_left3A_653 = arith.shli %xor3A_649, %shift_left3A_652 : vector<64x128xi32>
      %shift_right_logical3A_654 = arith.constant 17 : i32
      %shift_right_logical3A_655 = vector.broadcast %shift_right_logical3A_654 : i32 to vector<64x128xi32>
      %shift_right_logical3A_656 = arith.shrui %xor3A_649, %shift_right_logical3A_655 : vector<64x128xi32>
      %or3A_657 = arith.ori %shift_left3A_653, %shift_right_logical3A_656 : vector<64x128xi32>
      %xor3A_658 = arith.xori %or3A_657, %add3A_650 : vector<64x128xi32>
      %add3A_659 = arith.addi %add3A_650, %xor3A_658 : vector<64x128xi32>
      %shift_left3A_660 = arith.constant 26 : i32
      %shift_left3A_661 = vector.broadcast %shift_left3A_660 : i32 to vector<64x128xi32>
      %shift_left3A_662 = arith.shli %xor3A_658, %shift_left3A_661 : vector<64x128xi32>
      %shift_right_logical3A_663 = arith.constant 6 : i32
      %shift_right_logical3A_664 = vector.broadcast %shift_right_logical3A_663 : i32 to vector<64x128xi32>
      %shift_right_logical3A_665 = arith.shrui %xor3A_658, %shift_right_logical3A_664 : vector<64x128xi32>
      %or3A_666 = arith.ori %shift_left3A_662, %shift_right_logical3A_665 : vector<64x128xi32>
      %xor3A_667 = arith.xori %or3A_666, %add3A_659 : vector<64x128xi32>
      %add3A_668 = arith.addi %add3A_659, %xor3A_667 : vector<64x128xi32>
      %shift_left3A_669 = arith.constant 6 : i32
      %shift_left3A_670 = vector.broadcast %shift_left3A_669 : i32 to vector<64x128xi32>
      %shift_left3A_671 = arith.shli %xor3A_667, %shift_left3A_670 : vector<64x128xi32>
      %shift_right_logical3A_672 = arith.constant 26 : i32
      %shift_right_logical3A_673 = vector.broadcast %shift_right_logical3A_672 : i32 to vector<64x128xi32>
      %shift_right_logical3A_674 = arith.shrui %xor3A_667, %shift_right_logical3A_673 : vector<64x128xi32>
      %or3A_675 = arith.ori %shift_left3A_671, %shift_right_logical3A_674 : vector<64x128xi32>
      %xor3A_676 = arith.xori %or3A_675, %add3A_668 : vector<64x128xi32>
      %add3A_677 = arith.constant 0 : i32
      %add3A_678 = vector.broadcast %add3A_677 : i32 to vector<64x128xi32>
      %add3A_679 = arith.addi %add3A_668, %add3A_678 : vector<64x128xi32>
      %add3A_680 = arith.constant 42 : i32
      %add3A_681 = vector.broadcast %add3A_680 : i32 to vector<64x128xi32>
      %add3A_682 = arith.addi %xor3A_676, %add3A_681 : vector<64x128xi32>
      %add3A_683 = arith.constant 3 : i32
      %add3A_684 = vector.broadcast %add3A_683 : i32 to vector<64x128xi32>
      %add3A_685 = arith.addi %add3A_682, %add3A_684 : vector<64x128xi32>
      %add3A_686 = arith.addi %add3A_679, %add3A_685 : vector<64x128xi32>
      %shift_left3A_687 = arith.constant 17 : i32
      %shift_left3A_688 = vector.broadcast %shift_left3A_687 : i32 to vector<64x128xi32>
      %shift_left3A_689 = arith.shli %add3A_685, %shift_left3A_688 : vector<64x128xi32>
      %shift_right_logical3A_690 = arith.constant 15 : i32
      %shift_right_logical3A_691 = vector.broadcast %shift_right_logical3A_690 : i32 to vector<64x128xi32>
      %shift_right_logical3A_692 = arith.shrui %add3A_685, %shift_right_logical3A_691 : vector<64x128xi32>
      %or3A_693 = arith.ori %shift_left3A_689, %shift_right_logical3A_692 : vector<64x128xi32>
      %xor3A_694 = arith.xori %or3A_693, %add3A_686 : vector<64x128xi32>
      %add3A_695 = arith.addi %add3A_686, %xor3A_694 : vector<64x128xi32>
      %shift_left3A_696 = arith.constant 29 : i32
      %shift_left3A_697 = vector.broadcast %shift_left3A_696 : i32 to vector<64x128xi32>
      %shift_left3A_698 = arith.shli %xor3A_694, %shift_left3A_697 : vector<64x128xi32>
      %shift_right_logical3A_699 = arith.constant 3 : i32
      %shift_right_logical3A_700 = vector.broadcast %shift_right_logical3A_699 : i32 to vector<64x128xi32>
      %shift_right_logical3A_701 = arith.shrui %xor3A_694, %shift_right_logical3A_700 : vector<64x128xi32>
      %or3A_702 = arith.ori %shift_left3A_698, %shift_right_logical3A_701 : vector<64x128xi32>
      %xor3A_703 = arith.xori %or3A_702, %add3A_695 : vector<64x128xi32>
      %add3A_704 = arith.addi %add3A_695, %xor3A_703 : vector<64x128xi32>
      %shift_left3A_705 = arith.constant 16 : i32
      %shift_left3A_706 = vector.broadcast %shift_left3A_705 : i32 to vector<64x128xi32>
      %shift_left3A_707 = arith.shli %xor3A_703, %shift_left3A_706 : vector<64x128xi32>
      %shift_right_logical3A_708 = arith.constant 16 : i32
      %shift_right_logical3A_709 = vector.broadcast %shift_right_logical3A_708 : i32 to vector<64x128xi32>
      %shift_right_logical3A_710 = arith.shrui %xor3A_703, %shift_right_logical3A_709 : vector<64x128xi32>
      %or3A_711 = arith.ori %shift_left3A_707, %shift_right_logical3A_710 : vector<64x128xi32>
      %xor3A_712 = arith.xori %or3A_711, %add3A_704 : vector<64x128xi32>
      %add3A_713 = arith.addi %add3A_704, %xor3A_712 : vector<64x128xi32>
      %shift_left3A_714 = arith.constant 24 : i32
      %shift_left3A_715 = vector.broadcast %shift_left3A_714 : i32 to vector<64x128xi32>
      %shift_left3A_716 = arith.shli %xor3A_712, %shift_left3A_715 : vector<64x128xi32>
      %shift_right_logical3A_717 = arith.constant 8 : i32
      %shift_right_logical3A_718 = vector.broadcast %shift_right_logical3A_717 : i32 to vector<64x128xi32>
      %shift_right_logical3A_719 = arith.shrui %xor3A_712, %shift_right_logical3A_718 : vector<64x128xi32>
      %or3A_720 = arith.ori %shift_left3A_716, %shift_right_logical3A_719 : vector<64x128xi32>
      %xor3A_721 = arith.xori %or3A_720, %add3A_713 : vector<64x128xi32>
      %add3A_722 = arith.constant 42 : i32
      %add3A_723 = vector.broadcast %add3A_722 : i32 to vector<64x128xi32>
      %add3A_724 = arith.addi %add3A_713, %add3A_723 : vector<64x128xi32>
      %add3A_725 = arith.constant 466689008 : i32
      %add3A_726 = vector.broadcast %add3A_725 : i32 to vector<64x128xi32>
      %add3A_727 = arith.addi %xor3A_721, %add3A_726 : vector<64x128xi32>
      %add3A_728 = arith.constant 4 : i32
      %add3A_729 = vector.broadcast %add3A_728 : i32 to vector<64x128xi32>
      %add3A_730 = arith.addi %add3A_727, %add3A_729 : vector<64x128xi32>
      %add3A_731 = arith.addi %add3A_724, %add3A_730 : vector<64x128xi32>
      %shift_left3A_732 = arith.constant 13 : i32
      %shift_left3A_733 = vector.broadcast %shift_left3A_732 : i32 to vector<64x128xi32>
      %shift_left3A_734 = arith.shli %add3A_730, %shift_left3A_733 : vector<64x128xi32>
      %shift_right_logical3A_735 = arith.constant 19 : i32
      %shift_right_logical3A_736 = vector.broadcast %shift_right_logical3A_735 : i32 to vector<64x128xi32>
      %shift_right_logical3A_737 = arith.shrui %add3A_730, %shift_right_logical3A_736 : vector<64x128xi32>
      %or3A_738 = arith.ori %shift_left3A_734, %shift_right_logical3A_737 : vector<64x128xi32>
      %xor3A_739 = arith.xori %or3A_738, %add3A_731 : vector<64x128xi32>
      %add3A_740 = arith.addi %add3A_731, %xor3A_739 : vector<64x128xi32>
      %shift_left3A_741 = arith.constant 15 : i32
      %shift_left3A_742 = vector.broadcast %shift_left3A_741 : i32 to vector<64x128xi32>
      %shift_left3A_743 = arith.shli %xor3A_739, %shift_left3A_742 : vector<64x128xi32>
      %shift_right_logical3A_744 = arith.constant 17 : i32
      %shift_right_logical3A_745 = vector.broadcast %shift_right_logical3A_744 : i32 to vector<64x128xi32>
      %shift_right_logical3A_746 = arith.shrui %xor3A_739, %shift_right_logical3A_745 : vector<64x128xi32>
      %or3A_747 = arith.ori %shift_left3A_743, %shift_right_logical3A_746 : vector<64x128xi32>
      %xor3A_748 = arith.xori %or3A_747, %add3A_740 : vector<64x128xi32>
      %add3A_749 = arith.addi %add3A_740, %xor3A_748 : vector<64x128xi32>
      %shift_left3A_750 = arith.constant 26 : i32
      %shift_left3A_751 = vector.broadcast %shift_left3A_750 : i32 to vector<64x128xi32>
      %shift_left3A_752 = arith.shli %xor3A_748, %shift_left3A_751 : vector<64x128xi32>
      %shift_right_logical3A_753 = arith.constant 6 : i32
      %shift_right_logical3A_754 = vector.broadcast %shift_right_logical3A_753 : i32 to vector<64x128xi32>
      %shift_right_logical3A_755 = arith.shrui %xor3A_748, %shift_right_logical3A_754 : vector<64x128xi32>
      %or3A_756 = arith.ori %shift_left3A_752, %shift_right_logical3A_755 : vector<64x128xi32>
      %xor3A_757 = arith.xori %or3A_756, %add3A_749 : vector<64x128xi32>
      %add3A_758 = arith.addi %add3A_749, %xor3A_757 : vector<64x128xi32>
      %shift_left3A_759 = arith.constant 6 : i32
      %shift_left3A_760 = vector.broadcast %shift_left3A_759 : i32 to vector<64x128xi32>
      %shift_left3A_761 = arith.shli %xor3A_757, %shift_left3A_760 : vector<64x128xi32>
      %shift_right_logical3A_762 = arith.constant 26 : i32
      %shift_right_logical3A_763 = vector.broadcast %shift_right_logical3A_762 : i32 to vector<64x128xi32>
      %shift_right_logical3A_764 = arith.shrui %xor3A_757, %shift_right_logical3A_763 : vector<64x128xi32>
      %or3A_765 = arith.ori %shift_left3A_761, %shift_right_logical3A_764 : vector<64x128xi32>
      %xor3A_766 = arith.xori %or3A_765, %add3A_758 : vector<64x128xi32>
      %add3A_767 = arith.constant 466689008 : i32
      %add3A_768 = vector.broadcast %add3A_767 : i32 to vector<64x128xi32>
      %add3A_769 = arith.addi %add3A_758, %add3A_768 : vector<64x128xi32>
      %add3A_770 = arith.constant 0 : i32
      %add3A_771 = vector.broadcast %add3A_770 : i32 to vector<64x128xi32>
      %add3A_772 = arith.addi %xor3A_766, %add3A_771 : vector<64x128xi32>
      %add3A_773 = arith.constant 5 : i32
      %add3A_774 = vector.broadcast %add3A_773 : i32 to vector<64x128xi32>
      %add3A_775 = arith.addi %add3A_772, %add3A_774 : vector<64x128xi32>
      %xor3A_776 = arith.xori %add3A_769, %add3A_775 : vector<64x128xi32>
      %shift_right_logical3A_777 = arith.constant 9 : i32
      %shift_right_logical3A_778 = vector.broadcast %shift_right_logical3A_777 : i32 to vector<64x128xi32>
      %shift_right_logical3A_779 = arith.shrui %xor3A_776, %shift_right_logical3A_778 : vector<64x128xi32>
      %or3A_780 = arith.constant 1065353216 : i32
      %or3A_781 = vector.broadcast %or3A_780 : i32 to vector<64x128xi32>
      %or3A_782 = arith.ori %shift_right_logical3A_779, %or3A_781 : vector<64x128xi32>
      %bitcast_convert_type3A_783 = tpu.bitcast %or3A_782 : vector<64x128xi32> -> vector<64x128xf32>
      %sub3A_784 = arith.constant 1.000000e+00 : f32
      %sub3A_785 = vector.broadcast %sub3A_784 : f32 to vector<64x128xf32>
      %sub3A_786 = arith.subf %bitcast_convert_type3A_783, %sub3A_785 : vector<64x128xf32>
      %max3A_787 = vector.broadcast %scan3A : f32 to vector<64x128xf32>
      %max3A_788 = arith.maximumf %sub3A_786, %max3A_787 : vector<64x128xf32>
      %log3A_789 = math.log %max3A_788 : vector<64x128xf32>
      %neg3A_790 = arith.constant 0.000000e+00 : f32
      %neg3A_791 = vector.broadcast %neg3A_790 : f32 to vector<64x128xf32>
      %neg3A_792 = arith.subf %neg3A_791, %log3A_789 : vector<64x128xf32>
      %log3A_793 = math.log %neg3A_792 : vector<64x128xf32>
      %neg3A_794 = arith.constant 0.000000e+00 : f32
      %neg3A_795 = vector.broadcast %neg3A_794 : f32 to vector<64x128xf32>
      %neg3A_796 = arith.subf %neg3A_795, %log3A_793 : vector<64x128xf32>
      %mul3A_797 = arith.constant 4 : i32
      %mul3A_798 = arith.muli %scan3A_29, %mul3A_797 : i32
      %add3A_799 = arith.constant 2 : i32
      %add3A_800 = arith.addi %mul3A_798, %add3A_799 : i32
      %get3A_801 = arith.index_cast %add3A_800 : i32 to index
      %get3A_802 = arith.constant 0 : index
      %get3A_803 = vector.load %arg1[%get3A_801, %get3A_802] : memref<512x128xf32, #tpu.memory_space<vmem>>, vector<1x128xf32>
      %add3A_804 = vector.broadcast %get3A_803 : vector<1x128xf32> to vector<64x128xf32>
      %add3A_805 = arith.addf %neg3A_796, %add3A_804 : vector<64x128xf32>
      %add3A_806 = vector.broadcast %add3A_549 : i32 to vector<64x128xi32>
      %add3A_807 = arith.addi %add3A_806, %iota3A_0 : vector<64x128xi32>
      %mul3A_808 = arith.constant 512 : i32
      %mul3A_809 = arith.muli %scan3A_29, %mul3A_808 : i32
      %add3A_810 = arith.constant 384 : i32
      %add3A_811 = arith.addi %mul3A_809, %add3A_810 : i32
      %add3A_812 = vector.broadcast %add3A_811 : i32 to vector<64x128xi32>
      %add3A_813 = arith.addi %add3A_9, %add3A_812 : vector<64x128xi32>
      %shift_left3A_814 = arith.constant 13 : i32
      %shift_left3A_815 = vector.broadcast %shift_left3A_814 : i32 to vector<64x128xi32>
      %shift_left3A_816 = arith.shli %add3A_813, %shift_left3A_815 : vector<64x128xi32>
      %shift_right_logical3A_817 = arith.constant 19 : i32
      %shift_right_logical3A_818 = vector.broadcast %shift_right_logical3A_817 : i32 to vector<64x128xi32>
      %shift_right_logical3A_819 = arith.shrui %add3A_813, %shift_right_logical3A_818 : vector<64x128xi32>
      %or3A_820 = arith.ori %shift_left3A_816, %shift_right_logical3A_819 : vector<64x128xi32>
      %xor3A_821 = arith.xori %or3A_820, %add3A_813 : vector<64x128xi32>
      %add3A_822 = arith.addi %add3A_813, %xor3A_821 : vector<64x128xi32>
      %shift_left3A_823 = arith.constant 15 : i32
      %shift_left3A_824 = vector.broadcast %shift_left3A_823 : i32 to vector<64x128xi32>
      %shift_left3A_825 = arith.shli %xor3A_821, %shift_left3A_824 : vector<64x128xi32>
      %shift_right_logical3A_826 = arith.constant 17 : i32
      %shift_right_logical3A_827 = vector.broadcast %shift_right_logical3A_826 : i32 to vector<64x128xi32>
      %shift_right_logical3A_828 = arith.shrui %xor3A_821, %shift_right_logical3A_827 : vector<64x128xi32>
      %or3A_829 = arith.ori %shift_left3A_825, %shift_right_logical3A_828 : vector<64x128xi32>
      %xor3A_830 = arith.xori %or3A_829, %add3A_822 : vector<64x128xi32>
      %add3A_831 = arith.addi %add3A_822, %xor3A_830 : vector<64x128xi32>
      %shift_left3A_832 = arith.constant 26 : i32
      %shift_left3A_833 = vector.broadcast %shift_left3A_832 : i32 to vector<64x128xi32>
      %shift_left3A_834 = arith.shli %xor3A_830, %shift_left3A_833 : vector<64x128xi32>
      %shift_right_logical3A_835 = arith.constant 6 : i32
      %shift_right_logical3A_836 = vector.broadcast %shift_right_logical3A_835 : i32 to vector<64x128xi32>
      %shift_right_logical3A_837 = arith.shrui %xor3A_830, %shift_right_logical3A_836 : vector<64x128xi32>
      %or3A_838 = arith.ori %shift_left3A_834, %shift_right_logical3A_837 : vector<64x128xi32>
      %xor3A_839 = arith.xori %or3A_838, %add3A_831 : vector<64x128xi32>
      %add3A_840 = arith.addi %add3A_831, %xor3A_839 : vector<64x128xi32>
      %shift_left3A_841 = arith.constant 6 : i32
      %shift_left3A_842 = vector.broadcast %shift_left3A_841 : i32 to vector<64x128xi32>
      %shift_left3A_843 = arith.shli %xor3A_839, %shift_left3A_842 : vector<64x128xi32>
      %shift_right_logical3A_844 = arith.constant 26 : i32
      %shift_right_logical3A_845 = vector.broadcast %shift_right_logical3A_844 : i32 to vector<64x128xi32>
      %shift_right_logical3A_846 = arith.shrui %xor3A_839, %shift_right_logical3A_845 : vector<64x128xi32>
      %or3A_847 = arith.ori %shift_left3A_843, %shift_right_logical3A_846 : vector<64x128xi32>
      %xor3A_848 = arith.xori %or3A_847, %add3A_840 : vector<64x128xi32>
      %add3A_849 = arith.constant 42 : i32
      %add3A_850 = vector.broadcast %add3A_849 : i32 to vector<64x128xi32>
      %add3A_851 = arith.addi %add3A_840, %add3A_850 : vector<64x128xi32>
      %add3A_852 = arith.constant 466689008 : i32
      %add3A_853 = vector.broadcast %add3A_852 : i32 to vector<64x128xi32>
      %add3A_854 = arith.addi %xor3A_848, %add3A_853 : vector<64x128xi32>
      %add3A_855 = arith.constant 1 : i32
      %add3A_856 = vector.broadcast %add3A_855 : i32 to vector<64x128xi32>
      %add3A_857 = arith.addi %add3A_854, %add3A_856 : vector<64x128xi32>
      %add3A_858 = arith.addi %add3A_851, %add3A_857 : vector<64x128xi32>
      %shift_left3A_859 = arith.constant 17 : i32
      %shift_left3A_860 = vector.broadcast %shift_left3A_859 : i32 to vector<64x128xi32>
      %shift_left3A_861 = arith.shli %add3A_857, %shift_left3A_860 : vector<64x128xi32>
      %shift_right_logical3A_862 = arith.constant 15 : i32
      %shift_right_logical3A_863 = vector.broadcast %shift_right_logical3A_862 : i32 to vector<64x128xi32>
      %shift_right_logical3A_864 = arith.shrui %add3A_857, %shift_right_logical3A_863 : vector<64x128xi32>
      %or3A_865 = arith.ori %shift_left3A_861, %shift_right_logical3A_864 : vector<64x128xi32>
      %xor3A_866 = arith.xori %or3A_865, %add3A_858 : vector<64x128xi32>
      %add3A_867 = arith.addi %add3A_858, %xor3A_866 : vector<64x128xi32>
      %shift_left3A_868 = arith.constant 29 : i32
      %shift_left3A_869 = vector.broadcast %shift_left3A_868 : i32 to vector<64x128xi32>
      %shift_left3A_870 = arith.shli %xor3A_866, %shift_left3A_869 : vector<64x128xi32>
      %shift_right_logical3A_871 = arith.constant 3 : i32
      %shift_right_logical3A_872 = vector.broadcast %shift_right_logical3A_871 : i32 to vector<64x128xi32>
      %shift_right_logical3A_873 = arith.shrui %xor3A_866, %shift_right_logical3A_872 : vector<64x128xi32>
      %or3A_874 = arith.ori %shift_left3A_870, %shift_right_logical3A_873 : vector<64x128xi32>
      %xor3A_875 = arith.xori %or3A_874, %add3A_867 : vector<64x128xi32>
      %add3A_876 = arith.addi %add3A_867, %xor3A_875 : vector<64x128xi32>
      %shift_left3A_877 = arith.constant 16 : i32
      %shift_left3A_878 = vector.broadcast %shift_left3A_877 : i32 to vector<64x128xi32>
      %shift_left3A_879 = arith.shli %xor3A_875, %shift_left3A_878 : vector<64x128xi32>
      %shift_right_logical3A_880 = arith.constant 16 : i32
      %shift_right_logical3A_881 = vector.broadcast %shift_right_logical3A_880 : i32 to vector<64x128xi32>
      %shift_right_logical3A_882 = arith.shrui %xor3A_875, %shift_right_logical3A_881 : vector<64x128xi32>
      %or3A_883 = arith.ori %shift_left3A_879, %shift_right_logical3A_882 : vector<64x128xi32>
      %xor3A_884 = arith.xori %or3A_883, %add3A_876 : vector<64x128xi32>
      %add3A_885 = arith.addi %add3A_876, %xor3A_884 : vector<64x128xi32>
      %shift_left3A_886 = arith.constant 24 : i32
      %shift_left3A_887 = vector.broadcast %shift_left3A_886 : i32 to vector<64x128xi32>
      %shift_left3A_888 = arith.shli %xor3A_884, %shift_left3A_887 : vector<64x128xi32>
      %shift_right_logical3A_889 = arith.constant 8 : i32
      %shift_right_logical3A_890 = vector.broadcast %shift_right_logical3A_889 : i32 to vector<64x128xi32>
      %shift_right_logical3A_891 = arith.shrui %xor3A_884, %shift_right_logical3A_890 : vector<64x128xi32>
      %or3A_892 = arith.ori %shift_left3A_888, %shift_right_logical3A_891 : vector<64x128xi32>
      %xor3A_893 = arith.xori %or3A_892, %add3A_885 : vector<64x128xi32>
      %add3A_894 = arith.constant 466689008 : i32
      %add3A_895 = vector.broadcast %add3A_894 : i32 to vector<64x128xi32>
      %add3A_896 = arith.addi %add3A_885, %add3A_895 : vector<64x128xi32>
      %add3A_897 = arith.constant 0 : i32
      %add3A_898 = vector.broadcast %add3A_897 : i32 to vector<64x128xi32>
      %add3A_899 = arith.addi %xor3A_893, %add3A_898 : vector<64x128xi32>
      %add3A_900 = arith.constant 2 : i32
      %add3A_901 = vector.broadcast %add3A_900 : i32 to vector<64x128xi32>
      %add3A_902 = arith.addi %add3A_899, %add3A_901 : vector<64x128xi32>
      %add3A_903 = arith.addi %add3A_896, %add3A_902 : vector<64x128xi32>
      %shift_left3A_904 = arith.constant 13 : i32
      %shift_left3A_905 = vector.broadcast %shift_left3A_904 : i32 to vector<64x128xi32>
      %shift_left3A_906 = arith.shli %add3A_902, %shift_left3A_905 : vector<64x128xi32>
      %shift_right_logical3A_907 = arith.constant 19 : i32
      %shift_right_logical3A_908 = vector.broadcast %shift_right_logical3A_907 : i32 to vector<64x128xi32>
      %shift_right_logical3A_909 = arith.shrui %add3A_902, %shift_right_logical3A_908 : vector<64x128xi32>
      %or3A_910 = arith.ori %shift_left3A_906, %shift_right_logical3A_909 : vector<64x128xi32>
      %xor3A_911 = arith.xori %or3A_910, %add3A_903 : vector<64x128xi32>
      %add3A_912 = arith.addi %add3A_903, %xor3A_911 : vector<64x128xi32>
      %shift_left3A_913 = arith.constant 15 : i32
      %shift_left3A_914 = vector.broadcast %shift_left3A_913 : i32 to vector<64x128xi32>
      %shift_left3A_915 = arith.shli %xor3A_911, %shift_left3A_914 : vector<64x128xi32>
      %shift_right_logical3A_916 = arith.constant 17 : i32
      %shift_right_logical3A_917 = vector.broadcast %shift_right_logical3A_916 : i32 to vector<64x128xi32>
      %shift_right_logical3A_918 = arith.shrui %xor3A_911, %shift_right_logical3A_917 : vector<64x128xi32>
      %or3A_919 = arith.ori %shift_left3A_915, %shift_right_logical3A_918 : vector<64x128xi32>
      %xor3A_920 = arith.xori %or3A_919, %add3A_912 : vector<64x128xi32>
      %add3A_921 = arith.addi %add3A_912, %xor3A_920 : vector<64x128xi32>
      %shift_left3A_922 = arith.constant 26 : i32
      %shift_left3A_923 = vector.broadcast %shift_left3A_922 : i32 to vector<64x128xi32>
      %shift_left3A_924 = arith.shli %xor3A_920, %shift_left3A_923 : vector<64x128xi32>
      %shift_right_logical3A_925 = arith.constant 6 : i32
      %shift_right_logical3A_926 = vector.broadcast %shift_right_logical3A_925 : i32 to vector<64x128xi32>
      %shift_right_logical3A_927 = arith.shrui %xor3A_920, %shift_right_logical3A_926 : vector<64x128xi32>
      %or3A_928 = arith.ori %shift_left3A_924, %shift_right_logical3A_927 : vector<64x128xi32>
      %xor3A_929 = arith.xori %or3A_928, %add3A_921 : vector<64x128xi32>
      %add3A_930 = arith.addi %add3A_921, %xor3A_929 : vector<64x128xi32>
      %shift_left3A_931 = arith.constant 6 : i32
      %shift_left3A_932 = vector.broadcast %shift_left3A_931 : i32 to vector<64x128xi32>
      %shift_left3A_933 = arith.shli %xor3A_929, %shift_left3A_932 : vector<64x128xi32>
      %shift_right_logical3A_934 = arith.constant 26 : i32
      %shift_right_logical3A_935 = vector.broadcast %shift_right_logical3A_934 : i32 to vector<64x128xi32>
      %shift_right_logical3A_936 = arith.shrui %xor3A_929, %shift_right_logical3A_935 : vector<64x128xi32>
      %or3A_937 = arith.ori %shift_left3A_933, %shift_right_logical3A_936 : vector<64x128xi32>
      %xor3A_938 = arith.xori %or3A_937, %add3A_930 : vector<64x128xi32>
      %add3A_939 = arith.constant 0 : i32
      %add3A_940 = vector.broadcast %add3A_939 : i32 to vector<64x128xi32>
      %add3A_941 = arith.addi %add3A_930, %add3A_940 : vector<64x128xi32>
      %add3A_942 = arith.constant 42 : i32
      %add3A_943 = vector.broadcast %add3A_942 : i32 to vector<64x128xi32>
      %add3A_944 = arith.addi %xor3A_938, %add3A_943 : vector<64x128xi32>
      %add3A_945 = arith.constant 3 : i32
      %add3A_946 = vector.broadcast %add3A_945 : i32 to vector<64x128xi32>
      %add3A_947 = arith.addi %add3A_944, %add3A_946 : vector<64x128xi32>
      %add3A_948 = arith.addi %add3A_941, %add3A_947 : vector<64x128xi32>
      %shift_left3A_949 = arith.constant 17 : i32
      %shift_left3A_950 = vector.broadcast %shift_left3A_949 : i32 to vector<64x128xi32>
      %shift_left3A_951 = arith.shli %add3A_947, %shift_left3A_950 : vector<64x128xi32>
      %shift_right_logical3A_952 = arith.constant 15 : i32
      %shift_right_logical3A_953 = vector.broadcast %shift_right_logical3A_952 : i32 to vector<64x128xi32>
      %shift_right_logical3A_954 = arith.shrui %add3A_947, %shift_right_logical3A_953 : vector<64x128xi32>
      %or3A_955 = arith.ori %shift_left3A_951, %shift_right_logical3A_954 : vector<64x128xi32>
      %xor3A_956 = arith.xori %or3A_955, %add3A_948 : vector<64x128xi32>
      %add3A_957 = arith.addi %add3A_948, %xor3A_956 : vector<64x128xi32>
      %shift_left3A_958 = arith.constant 29 : i32
      %shift_left3A_959 = vector.broadcast %shift_left3A_958 : i32 to vector<64x128xi32>
      %shift_left3A_960 = arith.shli %xor3A_956, %shift_left3A_959 : vector<64x128xi32>
      %shift_right_logical3A_961 = arith.constant 3 : i32
      %shift_right_logical3A_962 = vector.broadcast %shift_right_logical3A_961 : i32 to vector<64x128xi32>
      %shift_right_logical3A_963 = arith.shrui %xor3A_956, %shift_right_logical3A_962 : vector<64x128xi32>
      %or3A_964 = arith.ori %shift_left3A_960, %shift_right_logical3A_963 : vector<64x128xi32>
      %xor3A_965 = arith.xori %or3A_964, %add3A_957 : vector<64x128xi32>
      %add3A_966 = arith.addi %add3A_957, %xor3A_965 : vector<64x128xi32>
      %shift_left3A_967 = arith.constant 16 : i32
      %shift_left3A_968 = vector.broadcast %shift_left3A_967 : i32 to vector<64x128xi32>
      %shift_left3A_969 = arith.shli %xor3A_965, %shift_left3A_968 : vector<64x128xi32>
      %shift_right_logical3A_970 = arith.constant 16 : i32
      %shift_right_logical3A_971 = vector.broadcast %shift_right_logical3A_970 : i32 to vector<64x128xi32>
      %shift_right_logical3A_972 = arith.shrui %xor3A_965, %shift_right_logical3A_971 : vector<64x128xi32>
      %or3A_973 = arith.ori %shift_left3A_969, %shift_right_logical3A_972 : vector<64x128xi32>
      %xor3A_974 = arith.xori %or3A_973, %add3A_966 : vector<64x128xi32>
      %add3A_975 = arith.addi %add3A_966, %xor3A_974 : vector<64x128xi32>
      %shift_left3A_976 = arith.constant 24 : i32
      %shift_left3A_977 = vector.broadcast %shift_left3A_976 : i32 to vector<64x128xi32>
      %shift_left3A_978 = arith.shli %xor3A_974, %shift_left3A_977 : vector<64x128xi32>
      %shift_right_logical3A_979 = arith.constant 8 : i32
      %shift_right_logical3A_980 = vector.broadcast %shift_right_logical3A_979 : i32 to vector<64x128xi32>
      %shift_right_logical3A_981 = arith.shrui %xor3A_974, %shift_right_logical3A_980 : vector<64x128xi32>
      %or3A_982 = arith.ori %shift_left3A_978, %shift_right_logical3A_981 : vector<64x128xi32>
      %xor3A_983 = arith.xori %or3A_982, %add3A_975 : vector<64x128xi32>
      %add3A_984 = arith.constant 42 : i32
      %add3A_985 = vector.broadcast %add3A_984 : i32 to vector<64x128xi32>
      %add3A_986 = arith.addi %add3A_975, %add3A_985 : vector<64x128xi32>
      %add3A_987 = arith.constant 466689008 : i32
      %add3A_988 = vector.broadcast %add3A_987 : i32 to vector<64x128xi32>
      %add3A_989 = arith.addi %xor3A_983, %add3A_988 : vector<64x128xi32>
      %add3A_990 = arith.constant 4 : i32
      %add3A_991 = vector.broadcast %add3A_990 : i32 to vector<64x128xi32>
      %add3A_992 = arith.addi %add3A_989, %add3A_991 : vector<64x128xi32>
      %add3A_993 = arith.addi %add3A_986, %add3A_992 : vector<64x128xi32>
      %shift_left3A_994 = arith.constant 13 : i32
      %shift_left3A_995 = vector.broadcast %shift_left3A_994 : i32 to vector<64x128xi32>
      %shift_left3A_996 = arith.shli %add3A_992, %shift_left3A_995 : vector<64x128xi32>
      %shift_right_logical3A_997 = arith.constant 19 : i32
      %shift_right_logical3A_998 = vector.broadcast %shift_right_logical3A_997 : i32 to vector<64x128xi32>
      %shift_right_logical3A_999 = arith.shrui %add3A_992, %shift_right_logical3A_998 : vector<64x128xi32>
      %or3A_1000 = arith.ori %shift_left3A_996, %shift_right_logical3A_999 : vector<64x128xi32>
      %xor3A_1001 = arith.xori %or3A_1000, %add3A_993 : vector<64x128xi32>
      %add3A_1002 = arith.addi %add3A_993, %xor3A_1001 : vector<64x128xi32>
      %shift_left3A_1003 = arith.constant 15 : i32
      %shift_left3A_1004 = vector.broadcast %shift_left3A_1003 : i32 to vector<64x128xi32>
      %shift_left3A_1005 = arith.shli %xor3A_1001, %shift_left3A_1004 : vector<64x128xi32>
      %shift_right_logical3A_1006 = arith.constant 17 : i32
      %shift_right_logical3A_1007 = vector.broadcast %shift_right_logical3A_1006 : i32 to vector<64x128xi32>
      %shift_right_logical3A_1008 = arith.shrui %xor3A_1001, %shift_right_logical3A_1007 : vector<64x128xi32>
      %or3A_1009 = arith.ori %shift_left3A_1005, %shift_right_logical3A_1008 : vector<64x128xi32>
      %xor3A_1010 = arith.xori %or3A_1009, %add3A_1002 : vector<64x128xi32>
      %add3A_1011 = arith.addi %add3A_1002, %xor3A_1010 : vector<64x128xi32>
      %shift_left3A_1012 = arith.constant 26 : i32
      %shift_left3A_1013 = vector.broadcast %shift_left3A_1012 : i32 to vector<64x128xi32>
      %shift_left3A_1014 = arith.shli %xor3A_1010, %shift_left3A_1013 : vector<64x128xi32>
      %shift_right_logical3A_1015 = arith.constant 6 : i32
      %shift_right_logical3A_1016 = vector.broadcast %shift_right_logical3A_1015 : i32 to vector<64x128xi32>
      %shift_right_logical3A_1017 = arith.shrui %xor3A_1010, %shift_right_logical3A_1016 : vector<64x128xi32>
      %or3A_1018 = arith.ori %shift_left3A_1014, %shift_right_logical3A_1017 : vector<64x128xi32>
      %xor3A_1019 = arith.xori %or3A_1018, %add3A_1011 : vector<64x128xi32>
      %add3A_1020 = arith.addi %add3A_1011, %xor3A_1019 : vector<64x128xi32>
      %shift_left3A_1021 = arith.constant 6 : i32
      %shift_left3A_1022 = vector.broadcast %shift_left3A_1021 : i32 to vector<64x128xi32>
      %shift_left3A_1023 = arith.shli %xor3A_1019, %shift_left3A_1022 : vector<64x128xi32>
      %shift_right_logical3A_1024 = arith.constant 26 : i32
      %shift_right_logical3A_1025 = vector.broadcast %shift_right_logical3A_1024 : i32 to vector<64x128xi32>
      %shift_right_logical3A_1026 = arith.shrui %xor3A_1019, %shift_right_logical3A_1025 : vector<64x128xi32>
      %or3A_1027 = arith.ori %shift_left3A_1023, %shift_right_logical3A_1026 : vector<64x128xi32>
      %xor3A_1028 = arith.xori %or3A_1027, %add3A_1020 : vector<64x128xi32>
      %add3A_1029 = arith.constant 466689008 : i32
      %add3A_1030 = vector.broadcast %add3A_1029 : i32 to vector<64x128xi32>
      %add3A_1031 = arith.addi %add3A_1020, %add3A_1030 : vector<64x128xi32>
      %add3A_1032 = arith.constant 0 : i32
      %add3A_1033 = vector.broadcast %add3A_1032 : i32 to vector<64x128xi32>
      %add3A_1034 = arith.addi %xor3A_1028, %add3A_1033 : vector<64x128xi32>
      %add3A_1035 = arith.constant 5 : i32
      %add3A_1036 = vector.broadcast %add3A_1035 : i32 to vector<64x128xi32>
      %add3A_1037 = arith.addi %add3A_1034, %add3A_1036 : vector<64x128xi32>
      %xor3A_1038 = arith.xori %add3A_1031, %add3A_1037 : vector<64x128xi32>
      %shift_right_logical3A_1039 = arith.constant 9 : i32
      %shift_right_logical3A_1040 = vector.broadcast %shift_right_logical3A_1039 : i32 to vector<64x128xi32>
      %shift_right_logical3A_1041 = arith.shrui %xor3A_1038, %shift_right_logical3A_1040 : vector<64x128xi32>
      %or3A_1042 = arith.constant 1065353216 : i32
      %or3A_1043 = vector.broadcast %or3A_1042 : i32 to vector<64x128xi32>
      %or3A_1044 = arith.ori %shift_right_logical3A_1041, %or3A_1043 : vector<64x128xi32>
      %bitcast_convert_type3A_1045 = tpu.bitcast %or3A_1044 : vector<64x128xi32> -> vector<64x128xf32>
      %sub3A_1046 = arith.constant 1.000000e+00 : f32
      %sub3A_1047 = vector.broadcast %sub3A_1046 : f32 to vector<64x128xf32>
      %sub3A_1048 = arith.subf %bitcast_convert_type3A_1045, %sub3A_1047 : vector<64x128xf32>
      %max3A_1049 = vector.broadcast %scan3A : f32 to vector<64x128xf32>
      %max3A_1050 = arith.maximumf %sub3A_1048, %max3A_1049 : vector<64x128xf32>
      %log3A_1051 = math.log %max3A_1050 : vector<64x128xf32>
      %neg3A_1052 = arith.constant 0.000000e+00 : f32
      %neg3A_1053 = vector.broadcast %neg3A_1052 : f32 to vector<64x128xf32>
      %neg3A_1054 = arith.subf %neg3A_1053, %log3A_1051 : vector<64x128xf32>
      %log3A_1055 = math.log %neg3A_1054 : vector<64x128xf32>
      %neg3A_1056 = arith.constant 0.000000e+00 : f32
      %neg3A_1057 = vector.broadcast %neg3A_1056 : f32 to vector<64x128xf32>
      %neg3A_1058 = arith.subf %neg3A_1057, %log3A_1055 : vector<64x128xf32>
      %mul3A_1059 = arith.constant 4 : i32
      %mul3A_1060 = arith.muli %scan3A_29, %mul3A_1059 : i32
      %add3A_1061 = arith.constant 3 : i32
      %add3A_1062 = arith.addi %mul3A_1060, %add3A_1061 : i32
      %get3A_1063 = arith.index_cast %add3A_1062 : i32 to index
      %get3A_1064 = arith.constant 0 : index
      %get3A_1065 = vector.load %arg1[%get3A_1063, %get3A_1064] : memref<512x128xf32, #tpu.memory_space<vmem>>, vector<1x128xf32>
      %add3A_1066 = vector.broadcast %get3A_1065 : vector<1x128xf32> to vector<64x128xf32>
      %add3A_1067 = arith.addf %neg3A_1058, %add3A_1066 : vector<64x128xf32>
      %add3A_1068 = vector.broadcast %add3A_811 : i32 to vector<64x128xi32>
      %add3A_1069 = arith.addi %add3A_1068, %iota3A_0 : vector<64x128xi32>
      %gt3A = arith.cmpf ogt, %add3A_543, %add3A_281 : vector<64x128xf32>
      %select_n3A_1070 = arith.select %gt3A, %add3A_543, %add3A_281 : vector<64x128xi1>, vector<64x128xf32>
      %select_n3A_1071 = arith.select %gt3A, %add3A_545, %add3A_283 : vector<64x128xi1>, vector<64x128xi32>
      %gt3A_1072 = arith.cmpf ogt, %add3A_1067, %add3A_805 : vector<64x128xf32>
      %select_n3A_1073 = arith.select %gt3A_1072, %add3A_1067, %add3A_805 : vector<64x128xi1>, vector<64x128xf32>
      %select_n3A_1074 = arith.select %gt3A_1072, %add3A_1069, %add3A_807 : vector<64x128xi1>, vector<64x128xi32>
      %gt3A_1075 = arith.cmpf ogt, %select_n3A_1073, %select_n3A_1070 : vector<64x128xf32>
      %select_n3A_1076 = arith.select %gt3A_1075, %select_n3A_1073, %select_n3A_1070 : vector<64x128xi1>, vector<64x128xf32>
      %select_n3A_1077 = arith.select %gt3A_1075, %select_n3A_1074, %select_n3A_1071 : vector<64x128xi1>, vector<64x128xi32>
      %gt3A_1078 = arith.cmpf ogt, %select_n3A_1076, %scan3A_30 : vector<64x128xf32>
      %select_n3A_1079 = arith.select %gt3A_1078, %select_n3A_1076, %scan3A_30 : vector<64x128xi1>, vector<64x128xf32>
      %select_n3A_1080 = arith.select %gt3A_1078, %select_n3A_1077, %scan3A_31 : vector<64x128xi1>, vector<64x128xi32>
      scf.yield %select_n3A_1079, %select_n3A_1080 : vector<64x128xf32>, vector<64x128xi32>
    }
    %scan3A_18 = arith.constant 128 : i32
    %reduce_max3A = arith.constant dense<0xFF800000> : vector<64xf32>
    %reduce_max3A_19 = vector.multi_reduction <maximumf>, %scan3A_17#0, %reduce_max3A [1] : vector<64x128xf32> to vector<64xf32>
    %broadcast_in_dim3A_20 = vector.shape_cast %reduce_max3A_19 : vector<64xf32> to vector<64x1xf32>
    %eq3A = vector.broadcast %broadcast_in_dim3A_20 : vector<64x1xf32> to vector<64x128xf32>
    %eq3A_21 = arith.cmpf oeq, %scan3A_17#0, %eq3A : vector<64x128xf32>
    %jit3A = arith.constant 65536 : i32
    %broadcast_in_dim3A_22 = vector.broadcast %jit3A : i32 to vector<64x128xi32>
    %select_n3A = arith.select %eq3A_21, %scan3A_17#1, %broadcast_in_dim3A_22 : vector<64x128xi1>, vector<64x128xi32>
    %reduce_min3A = arith.constant dense<2147483647> : vector<64xi32>
    %reduce_min3A_23 = vector.multi_reduction <minsi>, %select_n3A, %reduce_min3A [1] : vector<64x128xi32> to vector<64xi32>
    %broadcast_in_dim3A_24 = vector.shape_cast %reduce_min3A_23 : vector<64xi32> to vector<64x1xi32>
    %broadcast_in_dim3A_25 = vector.shape_cast %broadcast_in_dim3A_24 : vector<64x1xi32> to vector<64x1xi32>
    %broadcast_in_dim3A_26 = vector.broadcast %broadcast_in_dim3A_25 : vector<64x1xi32> to vector<64x128xi32>
    %swap3A = arith.constant 0 : index
    %swap3A_27 = arith.constant 0 : index
    %swap3A_28 = vector.load %arg2[%swap3A, %swap3A_27] : memref<64x128xi32, #tpu.memory_space<vmem>>, vector<64x128xi32>
    tpu.vector_store %arg2[%swap3A, %swap3A_27], %broadcast_in_dim3A_26 {strides = array<i32>} : memref<64x128xi32, #tpu.memory_space<vmem>>, vector<64x128xi32>,
    return
  }
  func.func @transform_0(%arg0: i32) -> (i32, i32) {
    %c0_i32 = arith.constant 0 : i32
    %c0_i32_0 = arith.constant 0 : i32
    %c0_i32_1 = arith.constant 0 : i32
    return %c0_i32, %c0_i32_0 : i32, i32
  }
  func.func @transform_1(%arg0: i32) -> (i32, i32) {
    %c0_i32 = arith.constant 0 : i32
    %c0_i32_0 = arith.constant 0 : i32
    return %arg0, %c0_i32 : i32, i32
  }
}

module attributes {stable_mosaic.version = 14 : i64} {
  func.func @_fin_body(%arg0: memref<2x512x128xf32, #tpu.memory_space<vmem>>, %arg1: memref<10x512x128xf32, #tpu.memory_space<vmem>>, %arg2: memref<10xf32, #tpu.memory_space<smem>>, %arg3: memref<16x128xf32, #tpu.memory_space<vmem>>) attributes {dimension_semantics = [], scalar_prefetch = 0 : i64, scratch_operands = 0 : i64, tpu.core_type = #tpu.core_type<tc>} {
    %get3A = arith.constant 0 : index
    %get3A_0 = arith.constant 0 : index
    %get3A_1 = arith.constant 0 : index
    %get3A_2 = vector.load %arg0[%get3A, %get3A_0, %get3A_1] : memref<2x512x128xf32, #tpu.memory_space<vmem>>, vector<1x512x128xf32>
    %get3A_3 = vector.shape_cast %get3A_2 : vector<1x512x128xf32> to vector<512x128xf32>
    %get3A_4 = arith.constant 1 : index
    %get3A_5 = arith.constant 0 : index
    %get3A_6 = arith.constant 0 : index
    %get3A_7 = vector.load %arg0[%get3A_4, %get3A_5, %get3A_6] : memref<2x512x128xf32, #tpu.memory_space<vmem>>, vector<1x512x128xf32>
    %get3A_8 = vector.shape_cast %get3A_7 : vector<1x512x128xf32> to vector<512x128xf32>
    %add3A = arith.addf %get3A_3, %get3A_8 : vector<512x128xf32>
    %mul3A = arith.constant 1.22070313E-4 : f32
    %mul3A_9 = vector.broadcast %mul3A : f32 to vector<512x128xf32>
    %mul3A_10 = arith.mulf %add3A, %mul3A_9 : vector<512x128xf32>
    %mul3A_11 = arith.constant 3.276800e+03 : f32
    %mul3A_12 = vector.broadcast %mul3A_11 : f32 to vector<512x128xf32>
    %mul3A_13 = arith.mulf %mul3A_12, %mul3A_10 : vector<512x128xf32>
    %tanh3A = math.tanh %mul3A_13 : vector<512x128xf32>
    %mul3A_14 = arith.constant 8.000000e-01 : f32
    %mul3A_15 = vector.broadcast %mul3A_14 : f32 to vector<512x128xf32>
    %mul3A_16 = arith.mulf %mul3A_15, %tanh3A : vector<512x128xf32>
    %log3A = math.log %mul3A_16 : vector<512x128xf32>
    %mul3A_17 = arith.constant 3.000000e-01 : f32
    %mul3A_18 = vector.broadcast %mul3A_17 : f32 to vector<512x128xf32>
    %mul3A_19 = arith.mulf %mul3A_18, %log3A : vector<512x128xf32>
    %exp3A = math.exp %mul3A_19 : vector<512x128xf32>
    %reduce_sum3A = vector.shape_cast %exp3A : vector<512x128xf32> to vector<1x512x128xf32>
    %reduce_sum3A_20 = arith.constant dense<0.000000e+00> : vector<1xf32>
    %reduce_sum3A_21 = vector.multi_reduction <add>, %reduce_sum3A, %reduce_sum3A_20 [1, 2] : vector<1x512x128xf32> to vector<1xf32>
    %reduce_sum3A_22 = vector.shape_cast %reduce_sum3A_21 : vector<1xf32> to vector<1x1x1xf32>
    %reduce_sum3A_23 = vector.extract %reduce_sum3A_22[0, 0, 0] : f32 from vector<1x1x1xf32>
    %mul3A_24 = arith.constant 1.52587891E-5 : f32
    %mul3A_25 = arith.mulf %reduce_sum3A_23, %mul3A_24 : f32
    %sub3A = vector.broadcast %mul3A_25 : f32 to vector<512x128xf32>
    %sub3A_26 = arith.subf %exp3A, %sub3A : vector<512x128xf32>
    %broadcast_in_dim3A = arith.constant 0.000000e+00 : f32
    %broadcast_in_dim3A_27 = vector.broadcast %broadcast_in_dim3A : f32 to vector<16x128xf32>
    %swap3A = arith.constant 0 : index
    %swap3A_28 = arith.constant 0 : index
    %swap3A_29 = vector.load %arg3[%swap3A, %swap3A_28] : memref<16x128xf32, #tpu.memory_space<vmem>>, vector<16x128xf32>
    tpu.vector_store %arg3[%swap3A, %swap3A_28], %broadcast_in_dim3A_27 {strides = array<i32>} : memref<16x128xf32, #tpu.memory_space<vmem>>, vector<16x128xf32>,
    %get3A_30 = arith.constant 0 : index
    %get3A_31 = arith.constant 0 : index
    %get3A_32 = arith.constant 0 : index
    %get3A_33 = vector.load %arg1[%get3A_30, %get3A_31, %get3A_32] : memref<10x512x128xf32, #tpu.memory_space<vmem>>, vector<1x512x128xf32>
    %get3A_34 = vector.shape_cast %get3A_33 : vector<1x512x128xf32> to vector<512x128xf32>
    %mul3A_35 = arith.mulf %get3A_34, %sub3A_26 : vector<512x128xf32>
    %reduce_sum3A_36 = vector.shape_cast %mul3A_35 : vector<512x128xf32> to vector<1x512x128xf32>
    %reduce_sum3A_37 = arith.constant dense<0.000000e+00> : vector<1xf32>
    %reduce_sum3A_38 = vector.multi_reduction <add>, %reduce_sum3A_36, %reduce_sum3A_37 [1, 2] : vector<1x512x128xf32> to vector<1xf32>
    %reduce_sum3A_39 = vector.shape_cast %reduce_sum3A_38 : vector<1xf32> to vector<1x1x1xf32>
    %reduce_sum3A_40 = vector.extract %reduce_sum3A_39[0, 0, 0] : f32 from vector<1x1x1xf32>
    %get3A_41 = arith.constant 0 : index
    %get3A_42 = memref.load %arg2[%get3A_41] : memref<10xf32, #tpu.memory_space<smem>>
    %add3A_43 = arith.addf %reduce_sum3A_40, %get3A_42 : f32
    %broadcast_in_dim3A_44 = vector.broadcast %add3A_43 : f32 to vector<128xf32>
    %swap3A_45 = arith.constant 0 : index
    %swap3A_46 = arith.constant 0 : index
    %swap3A_47 = vector.load %arg3[%swap3A_45, %swap3A_46] : memref<16x128xf32, #tpu.memory_space<vmem>>, vector<1x128xf32>
    %swap3A_48 = vector.shape_cast %swap3A_47 : vector<1x128xf32> to vector<128xf32>
    %swap3A_49 = vector.shape_cast %broadcast_in_dim3A_44 : vector<128xf32> to vector<1x128xf32>
    tpu.vector_store %arg3[%swap3A_45, %swap3A_46], %swap3A_49 {strides = array<i32>} : memref<16x128xf32, #tpu.memory_space<vmem>>, vector<1x128xf32>,
    %get3A_50 = arith.constant 1 : index
    %get3A_51 = arith.constant 0 : index
    %get3A_52 = arith.constant 0 : index
    %get3A_53 = vector.load %arg1[%get3A_50, %get3A_51, %get3A_52] : memref<10x512x128xf32, #tpu.memory_space<vmem>>, vector<1x512x128xf32>
    %get3A_54 = vector.shape_cast %get3A_53 : vector<1x512x128xf32> to vector<512x128xf32>
    %mul3A_55 = arith.mulf %get3A_54, %sub3A_26 : vector<512x128xf32>
    %reduce_sum3A_56 = vector.shape_cast %mul3A_55 : vector<512x128xf32> to vector<1x512x128xf32>
    %reduce_sum3A_57 = arith.constant dense<0.000000e+00> : vector<1xf32>
    %reduce_sum3A_58 = vector.multi_reduction <add>, %reduce_sum3A_56, %reduce_sum3A_57 [1, 2] : vector<1x512x128xf32> to vector<1xf32>
    %reduce_sum3A_59 = vector.shape_cast %reduce_sum3A_58 : vector<1xf32> to vector<1x1x1xf32>
    %reduce_sum3A_60 = vector.extract %reduce_sum3A_59[0, 0, 0] : f32 from vector<1x1x1xf32>
    %get3A_61 = arith.constant 1 : index
    %get3A_62 = memref.load %arg2[%get3A_61] : memref<10xf32, #tpu.memory_space<smem>>
    %add3A_63 = arith.addf %reduce_sum3A_60, %get3A_62 : f32
    %broadcast_in_dim3A_64 = vector.broadcast %add3A_63 : f32 to vector<128xf32>
    %swap3A_65 = arith.constant 1 : index
    %swap3A_66 = arith.constant 0 : index
    %swap3A_67 = vector.load %arg3[%swap3A_65, %swap3A_66] : memref<16x128xf32, #tpu.memory_space<vmem>>, vector<1x128xf32>
    %swap3A_68 = vector.shape_cast %swap3A_67 : vector<1x128xf32> to vector<128xf32>
    %swap3A_69 = vector.shape_cast %broadcast_in_dim3A_64 : vector<128xf32> to vector<1x128xf32>
    tpu.vector_store %arg3[%swap3A_65, %swap3A_66], %swap3A_69 {strides = array<i32>} : memref<16x128xf32, #tpu.memory_space<vmem>>, vector<1x128xf32>,
    %get3A_70 = arith.constant 2 : index
    %get3A_71 = arith.constant 0 : index
    %get3A_72 = arith.constant 0 : index
    %get3A_73 = vector.load %arg1[%get3A_70, %get3A_71, %get3A_72] : memref<10x512x128xf32, #tpu.memory_space<vmem>>, vector<1x512x128xf32>
    %get3A_74 = vector.shape_cast %get3A_73 : vector<1x512x128xf32> to vector<512x128xf32>
    %mul3A_75 = arith.mulf %get3A_74, %sub3A_26 : vector<512x128xf32>
    %reduce_sum3A_76 = vector.shape_cast %mul3A_75 : vector<512x128xf32> to vector<1x512x128xf32>
    %reduce_sum3A_77 = arith.constant dense<0.000000e+00> : vector<1xf32>
    %reduce_sum3A_78 = vector.multi_reduction <add>, %reduce_sum3A_76, %reduce_sum3A_77 [1, 2] : vector<1x512x128xf32> to vector<1xf32>
    %reduce_sum3A_79 = vector.shape_cast %reduce_sum3A_78 : vector<1xf32> to vector<1x1x1xf32>
    %reduce_sum3A_80 = vector.extract %reduce_sum3A_79[0, 0, 0] : f32 from vector<1x1x1xf32>
    %get3A_81 = arith.constant 2 : index
    %get3A_82 = memref.load %arg2[%get3A_81] : memref<10xf32, #tpu.memory_space<smem>>
    %add3A_83 = arith.addf %reduce_sum3A_80, %get3A_82 : f32
    %broadcast_in_dim3A_84 = vector.broadcast %add3A_83 : f32 to vector<128xf32>
    %swap3A_85 = arith.constant 2 : index
    %swap3A_86 = arith.constant 0 : index
    %swap3A_87 = vector.load %arg3[%swap3A_85, %swap3A_86] : memref<16x128xf32, #tpu.memory_space<vmem>>, vector<1x128xf32>
    %swap3A_88 = vector.shape_cast %swap3A_87 : vector<1x128xf32> to vector<128xf32>
    %swap3A_89 = vector.shape_cast %broadcast_in_dim3A_84 : vector<128xf32> to vector<1x128xf32>
    tpu.vector_store %arg3[%swap3A_85, %swap3A_86], %swap3A_89 {strides = array<i32>} : memref<16x128xf32, #tpu.memory_space<vmem>>, vector<1x128xf32>,
    %get3A_90 = arith.constant 3 : index
    %get3A_91 = arith.constant 0 : index
    %get3A_92 = arith.constant 0 : index
    %get3A_93 = vector.load %arg1[%get3A_90, %get3A_91, %get3A_92] : memref<10x512x128xf32, #tpu.memory_space<vmem>>, vector<1x512x128xf32>
    %get3A_94 = vector.shape_cast %get3A_93 : vector<1x512x128xf32> to vector<512x128xf32>
    %mul3A_95 = arith.mulf %get3A_94, %sub3A_26 : vector<512x128xf32>
    %reduce_sum3A_96 = vector.shape_cast %mul3A_95 : vector<512x128xf32> to vector<1x512x128xf32>
    %reduce_sum3A_97 = arith.constant dense<0.000000e+00> : vector<1xf32>
    %reduce_sum3A_98 = vector.multi_reduction <add>, %reduce_sum3A_96, %reduce_sum3A_97 [1, 2] : vector<1x512x128xf32> to vector<1xf32>
    %reduce_sum3A_99 = vector.shape_cast %reduce_sum3A_98 : vector<1xf32> to vector<1x1x1xf32>
    %reduce_sum3A_100 = vector.extract %reduce_sum3A_99[0, 0, 0] : f32 from vector<1x1x1xf32>
    %get3A_101 = arith.constant 3 : index
    %get3A_102 = memref.load %arg2[%get3A_101] : memref<10xf32, #tpu.memory_space<smem>>
    %add3A_103 = arith.addf %reduce_sum3A_100, %get3A_102 : f32
    %broadcast_in_dim3A_104 = vector.broadcast %add3A_103 : f32 to vector<128xf32>
    %swap3A_105 = arith.constant 3 : index
    %swap3A_106 = arith.constant 0 : index
    %swap3A_107 = vector.load %arg3[%swap3A_105, %swap3A_106] : memref<16x128xf32, #tpu.memory_space<vmem>>, vector<1x128xf32>
    %swap3A_108 = vector.shape_cast %swap3A_107 : vector<1x128xf32> to vector<128xf32>
    %swap3A_109 = vector.shape_cast %broadcast_in_dim3A_104 : vector<128xf32> to vector<1x128xf32>
    tpu.vector_store %arg3[%swap3A_105, %swap3A_106], %swap3A_109 {strides = array<i32>} : memref<16x128xf32, #tpu.memory_space<vmem>>, vector<1x128xf32>,
    %get3A_110 = arith.constant 4 : index
    %get3A_111 = arith.constant 0 : index
    %get3A_112 = arith.constant 0 : index
    %get3A_113 = vector.load %arg1[%get3A_110, %get3A_111, %get3A_112] : memref<10x512x128xf32, #tpu.memory_space<vmem>>, vector<1x512x128xf32>
    %get3A_114 = vector.shape_cast %get3A_113 : vector<1x512x128xf32> to vector<512x128xf32>
    %mul3A_115 = arith.mulf %get3A_114, %sub3A_26 : vector<512x128xf32>
    %reduce_sum3A_116 = vector.shape_cast %mul3A_115 : vector<512x128xf32> to vector<1x512x128xf32>
    %reduce_sum3A_117 = arith.constant dense<0.000000e+00> : vector<1xf32>
    %reduce_sum3A_118 = vector.multi_reduction <add>, %reduce_sum3A_116, %reduce_sum3A_117 [1, 2] : vector<1x512x128xf32> to vector<1xf32>
    %reduce_sum3A_119 = vector.shape_cast %reduce_sum3A_118 : vector<1xf32> to vector<1x1x1xf32>
    %reduce_sum3A_120 = vector.extract %reduce_sum3A_119[0, 0, 0] : f32 from vector<1x1x1xf32>
    %get3A_121 = arith.constant 4 : index
    %get3A_122 = memref.load %arg2[%get3A_121] : memref<10xf32, #tpu.memory_space<smem>>
    %add3A_123 = arith.addf %reduce_sum3A_120, %get3A_122 : f32
    %broadcast_in_dim3A_124 = vector.broadcast %add3A_123 : f32 to vector<128xf32>
    %swap3A_125 = arith.constant 4 : index
    %swap3A_126 = arith.constant 0 : index
    %swap3A_127 = vector.load %arg3[%swap3A_125, %swap3A_126] : memref<16x128xf32, #tpu.memory_space<vmem>>, vector<1x128xf32>
    %swap3A_128 = vector.shape_cast %swap3A_127 : vector<1x128xf32> to vector<128xf32>
    %swap3A_129 = vector.shape_cast %broadcast_in_dim3A_124 : vector<128xf32> to vector<1x128xf32>
    tpu.vector_store %arg3[%swap3A_125, %swap3A_126], %swap3A_129 {strides = array<i32>} : memref<16x128xf32, #tpu.memory_space<vmem>>, vector<1x128xf32>,
    %get3A_130 = arith.constant 5 : index
    %get3A_131 = arith.constant 0 : index
    %get3A_132 = arith.constant 0 : index
    %get3A_133 = vector.load %arg1[%get3A_130, %get3A_131, %get3A_132] : memref<10x512x128xf32, #tpu.memory_space<vmem>>, vector<1x512x128xf32>
    %get3A_134 = vector.shape_cast %get3A_133 : vector<1x512x128xf32> to vector<512x128xf32>
    %mul3A_135 = arith.mulf %get3A_134, %sub3A_26 : vector<512x128xf32>
    %reduce_sum3A_136 = vector.shape_cast %mul3A_135 : vector<512x128xf32> to vector<1x512x128xf32>
    %reduce_sum3A_137 = arith.constant dense<0.000000e+00> : vector<1xf32>
    %reduce_sum3A_138 = vector.multi_reduction <add>, %reduce_sum3A_136, %reduce_sum3A_137 [1, 2] : vector<1x512x128xf32> to vector<1xf32>
    %reduce_sum3A_139 = vector.shape_cast %reduce_sum3A_138 : vector<1xf32> to vector<1x1x1xf32>
    %reduce_sum3A_140 = vector.extract %reduce_sum3A_139[0, 0, 0] : f32 from vector<1x1x1xf32>
    %get3A_141 = arith.constant 5 : index
    %get3A_142 = memref.load %arg2[%get3A_141] : memref<10xf32, #tpu.memory_space<smem>>
    %add3A_143 = arith.addf %reduce_sum3A_140, %get3A_142 : f32
    %broadcast_in_dim3A_144 = vector.broadcast %add3A_143 : f32 to vector<128xf32>
    %swap3A_145 = arith.constant 5 : index
    %swap3A_146 = arith.constant 0 : index
    %swap3A_147 = vector.load %arg3[%swap3A_145, %swap3A_146] : memref<16x128xf32, #tpu.memory_space<vmem>>, vector<1x128xf32>
    %swap3A_148 = vector.shape_cast %swap3A_147 : vector<1x128xf32> to vector<128xf32>
    %swap3A_149 = vector.shape_cast %broadcast_in_dim3A_144 : vector<128xf32> to vector<1x128xf32>
    tpu.vector_store %arg3[%swap3A_145, %swap3A_146], %swap3A_149 {strides = array<i32>} : memref<16x128xf32, #tpu.memory_space<vmem>>, vector<1x128xf32>,
    %get3A_150 = arith.constant 6 : index
    %get3A_151 = arith.constant 0 : index
    %get3A_152 = arith.constant 0 : index
    %get3A_153 = vector.load %arg1[%get3A_150, %get3A_151, %get3A_152] : memref<10x512x128xf32, #tpu.memory_space<vmem>>, vector<1x512x128xf32>
    %get3A_154 = vector.shape_cast %get3A_153 : vector<1x512x128xf32> to vector<512x128xf32>
    %mul3A_155 = arith.mulf %get3A_154, %sub3A_26 : vector<512x128xf32>
    %reduce_sum3A_156 = vector.shape_cast %mul3A_155 : vector<512x128xf32> to vector<1x512x128xf32>
    %reduce_sum3A_157 = arith.constant dense<0.000000e+00> : vector<1xf32>
    %reduce_sum3A_158 = vector.multi_reduction <add>, %reduce_sum3A_156, %reduce_sum3A_157 [1, 2] : vector<1x512x128xf32> to vector<1xf32>
    %reduce_sum3A_159 = vector.shape_cast %reduce_sum3A_158 : vector<1xf32> to vector<1x1x1xf32>
    %reduce_sum3A_160 = vector.extract %reduce_sum3A_159[0, 0, 0] : f32 from vector<1x1x1xf32>
    %get3A_161 = arith.constant 6 : index
    %get3A_162 = memref.load %arg2[%get3A_161] : memref<10xf32, #tpu.memory_space<smem>>
    %add3A_163 = arith.addf %reduce_sum3A_160, %get3A_162 : f32
    %broadcast_in_dim3A_164 = vector.broadcast %add3A_163 : f32 to vector<128xf32>
    %swap3A_165 = arith.constant 6 : index
    %swap3A_166 = arith.constant 0 : index
    %swap3A_167 = vector.load %arg3[%swap3A_165, %swap3A_166] : memref<16x128xf32, #tpu.memory_space<vmem>>, vector<1x128xf32>
    %swap3A_168 = vector.shape_cast %swap3A_167 : vector<1x128xf32> to vector<128xf32>
    %swap3A_169 = vector.shape_cast %broadcast_in_dim3A_164 : vector<128xf32> to vector<1x128xf32>
    tpu.vector_store %arg3[%swap3A_165, %swap3A_166], %swap3A_169 {strides = array<i32>} : memref<16x128xf32, #tpu.memory_space<vmem>>, vector<1x128xf32>,
    %get3A_170 = arith.constant 7 : index
    %get3A_171 = arith.constant 0 : index
    %get3A_172 = arith.constant 0 : index
    %get3A_173 = vector.load %arg1[%get3A_170, %get3A_171, %get3A_172] : memref<10x512x128xf32, #tpu.memory_space<vmem>>, vector<1x512x128xf32>
    %get3A_174 = vector.shape_cast %get3A_173 : vector<1x512x128xf32> to vector<512x128xf32>
    %mul3A_175 = arith.mulf %get3A_174, %sub3A_26 : vector<512x128xf32>
    %reduce_sum3A_176 = vector.shape_cast %mul3A_175 : vector<512x128xf32> to vector<1x512x128xf32>
    %reduce_sum3A_177 = arith.constant dense<0.000000e+00> : vector<1xf32>
    %reduce_sum3A_178 = vector.multi_reduction <add>, %reduce_sum3A_176, %reduce_sum3A_177 [1, 2] : vector<1x512x128xf32> to vector<1xf32>
    %reduce_sum3A_179 = vector.shape_cast %reduce_sum3A_178 : vector<1xf32> to vector<1x1x1xf32>
    %reduce_sum3A_180 = vector.extract %reduce_sum3A_179[0, 0, 0] : f32 from vector<1x1x1xf32>
    %get3A_181 = arith.constant 7 : index
    %get3A_182 = memref.load %arg2[%get3A_181] : memref<10xf32, #tpu.memory_space<smem>>
    %add3A_183 = arith.addf %reduce_sum3A_180, %get3A_182 : f32
    %broadcast_in_dim3A_184 = vector.broadcast %add3A_183 : f32 to vector<128xf32>
    %swap3A_185 = arith.constant 7 : index
    %swap3A_186 = arith.constant 0 : index
    %swap3A_187 = vector.load %arg3[%swap3A_185, %swap3A_186] : memref<16x128xf32, #tpu.memory_space<vmem>>, vector<1x128xf32>
    %swap3A_188 = vector.shape_cast %swap3A_187 : vector<1x128xf32> to vector<128xf32>
    %swap3A_189 = vector.shape_cast %broadcast_in_dim3A_184 : vector<128xf32> to vector<1x128xf32>
    tpu.vector_store %arg3[%swap3A_185, %swap3A_186], %swap3A_189 {strides = array<i32>} : memref<16x128xf32, #tpu.memory_space<vmem>>, vector<1x128xf32>,
    %get3A_190 = arith.constant 8 : index
    %get3A_191 = arith.constant 0 : index
    %get3A_192 = arith.constant 0 : index
    %get3A_193 = vector.load %arg1[%get3A_190, %get3A_191, %get3A_192] : memref<10x512x128xf32, #tpu.memory_space<vmem>>, vector<1x512x128xf32>
    %get3A_194 = vector.shape_cast %get3A_193 : vector<1x512x128xf32> to vector<512x128xf32>
    %mul3A_195 = arith.mulf %get3A_194, %sub3A_26 : vector<512x128xf32>
    %reduce_sum3A_196 = vector.shape_cast %mul3A_195 : vector<512x128xf32> to vector<1x512x128xf32>
    %reduce_sum3A_197 = arith.constant dense<0.000000e+00> : vector<1xf32>
    %reduce_sum3A_198 = vector.multi_reduction <add>, %reduce_sum3A_196, %reduce_sum3A_197 [1, 2] : vector<1x512x128xf32> to vector<1xf32>
    %reduce_sum3A_199 = vector.shape_cast %reduce_sum3A_198 : vector<1xf32> to vector<1x1x1xf32>
    %reduce_sum3A_200 = vector.extract %reduce_sum3A_199[0, 0, 0] : f32 from vector<1x1x1xf32>
    %get3A_201 = arith.constant 8 : index
    %get3A_202 = memref.load %arg2[%get3A_201] : memref<10xf32, #tpu.memory_space<smem>>
    %add3A_203 = arith.addf %reduce_sum3A_200, %get3A_202 : f32
    %broadcast_in_dim3A_204 = vector.broadcast %add3A_203 : f32 to vector<128xf32>
    %swap3A_205 = arith.constant 8 : index
    %swap3A_206 = arith.constant 0 : index
    %swap3A_207 = vector.load %arg3[%swap3A_205, %swap3A_206] : memref<16x128xf32, #tpu.memory_space<vmem>>, vector<1x128xf32>
    %swap3A_208 = vector.shape_cast %swap3A_207 : vector<1x128xf32> to vector<128xf32>
    %swap3A_209 = vector.shape_cast %broadcast_in_dim3A_204 : vector<128xf32> to vector<1x128xf32>
    tpu.vector_store %arg3[%swap3A_205, %swap3A_206], %swap3A_209 {strides = array<i32>} : memref<16x128xf32, #tpu.memory_space<vmem>>, vector<1x128xf32>,
    %get3A_210 = arith.constant 9 : index
    %get3A_211 = arith.constant 0 : index
    %get3A_212 = arith.constant 0 : index
    %get3A_213 = vector.load %arg1[%get3A_210, %get3A_211, %get3A_212] : memref<10x512x128xf32, #tpu.memory_space<vmem>>, vector<1x512x128xf32>
    %get3A_214 = vector.shape_cast %get3A_213 : vector<1x512x128xf32> to vector<512x128xf32>
    %mul3A_215 = arith.mulf %get3A_214, %sub3A_26 : vector<512x128xf32>
    %reduce_sum3A_216 = vector.shape_cast %mul3A_215 : vector<512x128xf32> to vector<1x512x128xf32>
    %reduce_sum3A_217 = arith.constant dense<0.000000e+00> : vector<1xf32>
    %reduce_sum3A_218 = vector.multi_reduction <add>, %reduce_sum3A_216, %reduce_sum3A_217 [1, 2] : vector<1x512x128xf32> to vector<1xf32>
    %reduce_sum3A_219 = vector.shape_cast %reduce_sum3A_218 : vector<1xf32> to vector<1x1x1xf32>
    %reduce_sum3A_220 = vector.extract %reduce_sum3A_219[0, 0, 0] : f32 from vector<1x1x1xf32>
    %get3A_221 = arith.constant 9 : index
    %get3A_222 = memref.load %arg2[%get3A_221] : memref<10xf32, #tpu.memory_space<smem>>
    %add3A_223 = arith.addf %reduce_sum3A_220, %get3A_222 : f32
    %broadcast_in_dim3A_224 = vector.broadcast %add3A_223 : f32 to vector<128xf32>
    %swap3A_225 = arith.constant 9 : index
    %swap3A_226 = arith.constant 0 : index
    %swap3A_227 = vector.load %arg3[%swap3A_225, %swap3A_226] : memref<16x128xf32, #tpu.memory_space<vmem>>, vector<1x128xf32>
    %swap3A_228 = vector.shape_cast %swap3A_227 : vector<1x128xf32> to vector<128xf32>
    %swap3A_229 = vector.shape_cast %broadcast_in_dim3A_224 : vector<128xf32> to vector<1x128xf32>
    tpu.vector_store %arg3[%swap3A_225, %swap3A_226], %swap3A_229 {strides = array<i32>} : memref<16x128xf32, #tpu.memory_space<vmem>>, vector<1x128xf32>,
    return
  }
}

</mosaic_0001>

<sc_bundles>
// kernel: kernel.6.cloned.1.call-start
scs
__scs_entry_jumppad:
0x0: {  	(pc) =	sbr.rel $0x88, $3  }
0x1: {  	(tag) =	ssettag $0x0;
	lr =	simm.s32 $0x1  }
0x2: {  	[smem:$0x3F9D] =	sst lr;
	_ =	strace $0xD0000000  }
0x3: {  	_ = 	snop  }
0x4: {  	_ = 	snop  }
0x5: {  	_ = 	snop  }
0x6: {  	_ = 	snop  }
0x7: {  	_ = 	snop  }
__scs_overlays_trampoline_lowered:
0x8: {  	[smem:$0x3FAC] =	sst s0  }
0x9: {  	[smem:$0x3FAD] =	sst s1  }
0xa: {  	[smem:$0x3FAE] =	sst s2  }
0xb: {  	[smem:$0x3FAF] =	sst s3  }
0xc: {  	[smem:$0x3FB0] =	sst s4  }
0xd: {  	[smem:$0x3FB1] =	sst s5  }
0xe: {  	[smem:$0x3FB2] =	sst s6  }
0xf: {  	[smem:$0x3FB3] =	sst s7  }
0x10: {  	[smem:$0x3FB4] =	sst s8  }
0x11: {  	[smem:$0x3FB5] =	sst s9;
	s0 =	simm.s32 @!p0 $0x0  }
0x12: {  	s1 =	sld [smem:$0x3F9B];
	s0 =	simm.s32 @p0 $0x1  }
0x13: {  	[smem:$0x3FB6] =	sst s0;
	s0 =	simm.s32 @!p1 $0x0  }
0x14: {  	s2 =	sld [smem:$0x3F9A];
	s0 =	simm.s32 @p1 $0x1  }
0x15: {  	[smem:$0x3FB7] =	sst s0;
	s0 =	simm.s32 @!p2 $0x0  }
0x16: {  	s3 =	sld [smem:$0x3FDB];
	s0 =	simm.s32 @p2 $0x1  }
0x17: {  	s4 =	simm.s32 $0x1BF5;
	[smem:$0x3FB9] =	sst s0  }
0x18: {  	s0 =	sld [smem:$0x3F9C];
	_ =	swait.ge [sflag:s4], $0x0  }
0x19: {  	s7 =	sld [smem:$0x3F9D]  }
0x1a: {  	s8 =	sadd.s32 $0xFFFFE003, lr  }
0x1b: {  	s9 =	sadd.s32 $0xFFFFFEF7, lr;
	s5 =	simm.s32 $0xFFFFFFFF;
	p2 =	slt.u32 s8, $0xFFFFF086  }
0x1c: {  	p1 =	slt.u32 s9, $0xF7A;
	s5 =	simm.s32 @!p2 $0x0  }
0x1d: {  	s5 =	simm.s32 @p1 $0x1;
	p0 =	seq.s32 s7, s2  }
0x1e: {  	s7 =	smul.u32 @!p0 $0xF7A, s2;
	p2 =	seq.s32 @!p0 s5, $0x0  }
0x1f: {  	s9 =	smul.u32 $0xF7A, s1;
	s8 =	simm.s32 @!p0 $0x1BF5;
	p2 =	por !p2, p0  }
0x20: {  	[sflag:s8] =	ssyncset.s32 @!p0 $0xFFFFF086;
	s6 =	sadd.s32 @!p0 s3, s7;
	s7 =	simm.s32 @!p0 $0x108  }
0x21: {  	s3 =	sadd.s32 s3, s9;
	s6 =	sadd.s32 @!p0 $0x88, s6;
	s7 =	simm.s32 @p2 $0x1082  }
0x22: {  	[simem:s7], [sflag:s8] =	dma.local @!p0 [hbm:s6], $0xF7A  }
0x23: {  	s9 =	sor.u32 $0xD0000000, s2;
	s6 =	simm.s32 $0x108;
	_ =	swait.ge @!p0 [sflag:s8], $0x0  }
0x24: {  	s3 =	sadd.s32 $0x88, s3;
	s6 =	simm.s32 @!p1 $0x1082;
	[sflag:s4] =	ssyncset.s32 $0xFFFFF086  }
0x25: {  	[simem:s6], [sflag:s4] =	dma.local [hbm:s3], $0xF7A  }
0x26: {  	[smem:$0x3F9D] =	sst s1;
	(tag) =	ssettag s2;
	_ =	strace s9  }
0x27: {  	s1 =	sld [smem:$0x3FAD]  }
0x28: {  	s2 =	sld [smem:$0x3FAE]  }
0x29: {  	s4 =	sld [smem:$0x3FB0]  }
0x2a: {  	p0 =	seq.s32 s5, $0x0;
	s5 =	sld [smem:$0x3FB1]  }
0x2b: {  	s6 =	sld [smem:$0x3FB2]  }
0x2c: {  	s7 =	sld [smem:$0x3FB3]  }
0x2d: {  	s3 =	simm.s32 $0x108;
	s8 =	sld [smem:$0x3FB4]  }
0x2e: {  	s3 =	simm.s32 @!p0 $0x1082;
	s9 =	sld [smem:$0x3FB5]  }
0x2f: {  	lr =	sadd.s32 s0, s3;
	s0 =	sld [smem:$0x3FAC]  }
0x30: {  	s3 =	sld [smem:$0x3FAF]  }
0x31: {  	[smem:$0x3FB8] =	sst s10  }
0x32: {  	s10 =	sld [smem:$0x3FB6];
	_ =	sdelay $0x3  }
0x33: {  	p0 =	seq.s32 s10, $0x1;
	s10 =	sld [smem:$0x3FB8];
	_ =	sdelay $0x3  }
0x34: {  	[smem:$0x3FB8] =	sst s10  }
0x35: {  	s10 =	sld [smem:$0x3FB7];
	_ =	sdelay $0x3  }
0x36: {  	p1 =	seq.s32 s10, $0x1;
	s10 =	sld [smem:$0x3FB8];
	_ =	sdelay $0x3  }
0x37: {  	[smem:$0x3FB8] =	sst s10  }
0x38: {  	s10 =	sld [smem:$0x3FB9]  }
0x39: {  	_ = 	snop;
	(pc) =	sbr.ind lr, $3  }
0x3a: {  	_ = 	snop  }
0x3b: {  	_ = 	snop  }
0x3c: {  	p2 =	seq.s32 s10, $0x1;
	s10 =	sld [smem:$0x3FB8]  }
0x3d: {  	_ =	shalt  }
0x3e: {  	_ =	shalt  }
0x3f: {  	_ =	shalt  }
0x40: {  	_ =	shalt  }
0x41: {  	_ =	shalt  }
0x42: {  	_ =	shalt  }
0x43: {  	_ =	shalt  }
0x44: {  	_ =	shalt  }
0x45: {  	_ =	shalt  }
0x46: {  	_ =	shalt  }
0x47: {  	_ =	shalt  }
0x48: {  	_ =	shalt  }
0x49: {  	_ =	shalt  }
0x4a: {  	_ =	shalt  }
0x4b: {  	_ =	shalt  }
0x4c: {  	_ =	shalt  }
0x4d: {  	_ =	shalt  }
0x4e: {  	_ =	shalt  }
0x4f: {  	_ =	shalt  }
0x50: {  	_ =	shalt  }
0x51: {  	_ =	shalt  }
0x52: {  	_ =	shalt  }
0x53: {  	_ =	shalt  }
0x54: {  	_ =	shalt  }
0x55: {  	_ =	shalt  }
0x56: {  	_ =	shalt  }
0x57: {  	_ =	shalt  }
0x58: {  	_ =	shalt  }
0x59: {  	_ =	shalt  }
0x5a: {  	_ =	shalt  }
0x5b: {  	_ =	shalt  }
0x5c: {  	_ =	shalt  }
0x5d: {  	_ =	shalt  }
0x5e: {  	_ =	shalt  }
0x5f: {  	_ =	shalt  }
0x60: {  	_ =	shalt  }
0x61: {  	_ =	shalt  }
0x62: {  	_ =	shalt  }
0x63: {  	_ =	shalt  }
0x64: {  	_ =	shalt  }
0x65: {  	_ =	shalt  }
0x66: {  	_ =	shalt  }
0x67: {  	_ =	shalt  }
0x68: {  	_ =	shalt  }
0x69: {  	_ =	shalt  }
0x6a: {  	_ =	shalt  }
0x6b: {  	_ =	shalt  }
0x6c: {  	_ =	shalt  }
0x6d: {  	_ =	shalt  }
0x6e: {  	_ =	shalt  }
0x6f: {  	_ =	shalt  }
0x70: {  	_ =	shalt  }
0x71: {  	_ =	shalt  }
0x72: {  	_ =	shalt  }
0x73: {  	_ =	shalt  }
0x74: {  	_ =	shalt  }
0x75: {  	_ =	shalt  }
0x76: {  	_ =	shalt  }
0x77: {  	_ =	shalt  }
0x78: {  	_ =	shalt  }
0x79: {  	_ =	shalt  }
0x7a: {  	_ =	shalt  }
0x7b: {  	_ =	shalt  }
0x7c: {  	_ =	shalt  }
0x7d: {  	_ =	shalt  }
0x7e: {  	_ =	shalt  }
0x7f: {  	_ =	shalt  }
0x80: {  	_ =	shalt  }
0x81: {  	_ =	shalt  }
0x82: {  	_ =	shalt  }
0x83: {  	_ =	shalt  }
0x84: {  	_ =	shalt  }
0x85: {  	_ =	shalt  }
0x86: {  	_ =	shalt  }
0x87: {  	_ =	shalt  }
.Lfunc_end0:
.L_simem_size_0:
called_computation_lowered:
.L_overlay_start_0:
0x88: {  	s2 =	sld [smem:$0x3FD9]  }
0x89: {  	s3 =	sld [smem:$0x3FFE];
	_ =	sdelay $0x1  }
0x8a: {  	s1 =	srdreg.scid  }
0x8b: {  	s0 =	sand.u32 $0x1, s1  }
0x8c: {  	s16 =	sshll.u32 s0, $0xA;
	s2 =	sadd.s32 s3, s2  }
0x8d: {  	s2 =	sadd.s32 s2, s16  }
0x8e: {  	[smem:$0x3FC4] =	sst s2  }
0x8f: {  	_ = 	snop  }
0x90: {  	(tm) =	ssettm $0x1  }
0x91: {  	s17 =	sld [smem:$0x3FFB];
	_ =	sdelay $0x3  }
0x92: {  	_ =	strace s17  }
0x93: {  	s2 =	sld [smem:$0x3FFC];
	_ =	sdelay $0x3  }
0x94: {  	_ =	strace s2  }
0x95: {  	s2 =	sld [smem:$0x3FFD];
	_ =	sdelay $0x3  }
0x96: {  	_ =	strace s2  }
0x97: {  	_ =	strace $0x8FFFFFFF  }
0x98: {  	s18 =	sld [smem:$0x3FDB];
	_ =	sdelay $0x1  }
0x99: {  	s19 =	simm.s32 $_scs_section_size  }
0x9a: {  	s4 =	simm.s32 $_size__tile_overlayer_lowered;
	s5 =	simm.s32 $_tile_overlayer_lowered  }
0x9b: {  	s22 =	simm.s32 $0x1BFF;
	s21 =	sshll.u32 s5, $0x1;
	s2 =	sadd.s32 s19, s18  }
0x9c: {  	s6 =	simm.s32 $0x0;
	s20 =	sshll.u32 s4, $0x1;
	s4 =	sadd.s32 s21, s2  }
0x9d: {  	[timem:s6], [sflag:s22] =	dma.local [hbm:s4], s20  }
0x9e: {  	_ =	swait.ge [sflag:s22], s20  }
0x9f: {  	s3 =	ssub.s32 $0x0, s20;
	[sflag:s22] =	ssyncset.done $0x0  }
0xa0: {  	[sflag:s22] =	ssyncadd.s32 s3;
	_ =	sdelay $0x1  }
0xa1: {  	s23 =	simm.s32 $0x1B8B  }
0xa2: {  	_ =	swait.ge [sflag:s23], $0x1  }
0xa3: {  	[sflag:s23] =	ssyncset.done $0x0  }
0xa4: {  	s25 =	simm.s32 $0x1B8E;
	s24 =	sld [smem:$0x3FFE];
	[sflag:s23] =	ssyncadd.s32 $0xFFFFFFFF  }
0xa5: {  	s26 =	simm.s32 $execute0_lowered;
	[smem:$0x3FD2] =	sst s25  }
0xa6: {  	s4 =	sshll.u32 s26, $0x1;
	_ =	strace $0x80000046;
	[dreg:$0x1] =	wrdreg $0xFFFFFFFF  }
0xa7: {  	s28 =	simm.s32 $_size_execute0_lowered;
	s2 =	sadd.s32 s2, s4;
	[dreg:$0x0] =	wrdreg $0x0  }
0xa8: {  	s4 =	sshll.u32 s28, $0x1;
	[dreg:$0x2] =	wrdreg s2  }
0xa9: {  	[dreg:$0x3] =	wrdreg s4  }
0xaa: {  	[dreg:$0x4] =	wrdreg $0xC0  }
0xab: {  	_ =	task [dreg:s6], $0x5FFFF  }
0xac: {  	[dreg:$0x1] =	wrdreg $0xFFFFFFFF  }
0xad: {  	[dreg:$0x0] =	wrdreg $0x60  }
0xae: {  	[dreg:$0x2] =	wrdreg s24  }
0xaf: {  	[dreg:$0x3] =	wrdreg $0x20800  }
0xb0: {  	[dreg:$0x4] =	wrdreg $0x9  }
0xb1: {  	_ =	task.clear_ibuf [dreg:s6], $0x5FFFF;
	_ =	strace $0x90000046  }
0xb2: {  	s29 =	simm.s32 $0x9;
	_ =	strace $0x80000048  }
0xb3: {  	_ =	swait.ge [sflag:s29], $0x1  }
0xb4: {  	[sflag:s29] =	ssyncadd.s32 $0xFFFFFFFF  }
0xb5: {  	_ =	strace $0x90000048  }
0xb6: {  	_ =	sfence  }
0xb7: {  	s30 =	sld [smem:$0x0];
	_ =	sdelay $0x2  }
0xb8: {  	s31 =	sshll.u32 s1, $0xD;
	s1 =	sshrl.u32 s1, $0x2  }
0xb9: {  	s3 =	sand.u32 $0x4000, s31;
	s1 =	sadd.s32 s1, s30  }
0xba: {  	s0 =	sor.u32 s3, s0;
	s1 =	sshll.u32 s1, $0x11  }
0xbb: {  	s0 =	sor.u32 s1, s0  }
0xbc: {  	s0 =	sadd.s32 $0x8F2B, s0  }
0xbd: {  	[sflag:s0] =	ssyncadd.remote.s32 $0x1  }
0xbe: {  	_ =	sfence.sel $0xFFFF  }
0xbf: {  	[dreg:$0x0] =	wrdreg $0xFFFFFFFF;
	(pc) =	sbr.abs _section_cstart, $3  }
0xc0: {  	[dreg:$0x1] =	wrdreg $0xFFFFFFFF  }
0xc1: {  	_ =	task.clear_ibuf [dreg:s6], $0x2FFFF;
	_ =	strace $0x9FFFFFFF  }
0xc2: {  	(tm) =	ssettm $0x7FFFFFFF  }
0xc3: {  	_ =	shalt  }
tec
execute0_lowered:
.L_overlay_start_1:
0x0: {  	(tag) =	ssettag $0x1  }
0x1: {  	s3 =	rddreg [dreg:$0x0]  }
0x2: {  	s1 =	rddreg [dreg:$0x1];
	s4 =	srdreg.scid  }
0x3: {  	s0 =	rddreg [dreg:$0x2];
	s2 =	simm.s32 $0x0;
	s7 =	stileid.u32  }
0x4: {  	s11 =	simm.s32 $0x100;
	s4 =	sand.u32 $0x1, s4;
	[smem:$0x7FF] =	sst s2  }
0x5: {  	s8 =	sshll.u32 s7, $0xA;
	s9 =	sshll.u32 s7, $0xC;
	p0 =	sne.s32 s7, $0x0  }
0x6: {  	s7 =	simm.s32 $0x1080;
	s5 =	sshll.u32 s4, $0x9;
	_ =	strace $0x80000047  }
.Ltmp0:
0x7: {  	s6 =	sshll.u32 s4, $0x4;
	s31 =	ssub.s32 $0x2, s4;
	(pc) =	sbr.rel .LBB2_1-.Ltmp0, $4  }
0x8: {  	s5 =	sadd.s32 s5, s3;
	s6 =	sadd.s32 s6, s3;
	s4 =	sshrl.u32 s31, $0x1  }
0x9: {  	s3 =	sadd.s32 s9, s1;
	s9 =	simm.s32 $0x80;
	s10 =	ssub.s32 s31, s4  }
0xa: {  	s6 =	sadd.s32 s8, s6;
	s4 =	sadd.s32 $0x200, s5;
	s8 =	simm.s32 $0x1  }
0xb: {  	v0 =	vimm.f32 $0.0e+00;
	v1 =	vimm.f32 $1.000000000e+00;
	s5 =	sadd.s32 $0x600, s6;
	s6 =	smax.u32 s10, $0x1;
	s10 =	simm.s32 $0x1000  }
.LBB2_6:
0xc: {  	[sflag:s8] =	ssyncadd.s32 $0xFFFFFF80  }
.LBB2_7:
0xd: {  	[bflag:$0x0] =	sbarrier.arrive $0xFFFF  }
0xe: {  	[tilespmem:s7], [sflag:$0x1] =	stream.linear.gather [spmem:s3], $0x1000, $0x38;
	[tilespmem:$0x3080] =	vst v63  }
0xf: {  	s2 =	sadd.s32 $0x1, s2;
	_ =	swait.ge [sflag:s8], $0x1000  }
0x10: {  	p1 =	sne.s32 s2, s6;
	[sflag:s8] =	ssyncset.done $0x0  }
.Ltmp1:
0x11: {  	[sflag:s8] =	ssyncadd.s32 $0xFFFFF000;
	(pc) =	sbr.rel @!p1 .LBB2_8-.Ltmp1, $4  }
0x12: {  	[hbm4b:s5+s9] =	stream.strided.scatter [tilespmem:s7], [sflag:$0x1], $0x1000, s11, s9, $0x38;
	[tilespmem:$0x3080] =	vst v63  }
0x13: {  	_ =	swait.ge [sflag:s8], $0x1000  }
0x14: {  	[sflag:s8] =	ssyncset.done $0x0  }
0x15: {  	[sflag:s8] =	ssyncadd.s32 $0xFFFFF000  }
.LBB2_1:
0x16: {  	s12 =	simm.s32 $0x40;
	s13 =	simm.s32 $0x0  }
.LBB2_2:
0x17: {  	p1 =	sne.s32 s12, $0x3FC0;
	[tilespmem:s13+$0x1080] =	vst v0;
	s13 =	smov.u32 s12;
	s12 =	sadd.s32 $0x40, s12  }
.Ltmp2:
0x18: {  	(pc) =	sbr.rel @p1 .LBB2_2-.Ltmp2, $2  }
0x19: {  	_ =	sdelay $0x2  }
0x1a: {  	s13 =	sshra.s32 s13, $0x2  }
0x1b: {  	[tilespmem:s13+$0x1080] =	vst v0  }
0x1c: {  	[spmem:s3] =	stream.linear.scatter [tilespmem:s7], [sflag:$0x1], $0x1000, $0x38;
	[tilespmem:$0x3080] =	vst v63  }
.Ltmp3:
0x1d: {  	_ =	swait.ge [sflag:s8], $0x1000;
	(pc) =	sbr.rel @p0 .LBB2_7-.Ltmp3, $3  }
0x1e: {  	[sflag:s8] =	ssyncset.done $0x0  }
0x1f: {  	[sflag:s8] =	ssyncadd.s32 $0xFFFFF000  }
0x20: {  	[bflag:$0x0] =	sbarrier.arrive $0xFFFF;
	_ =	sdelay $0x1  }
0x21: {  	[tilespmem:$0x1000] =	vst v1  }
0x22: {  	[tilespmem:$0x1010] =	vst v1  }
0x23: {  	[tilespmem:$0x1020] =	vst v1  }
0x24: {  	[tilespmem:$0x1030] =	vst v1  }
0x25: {  	[tilespmem:$0x1040] =	vst v1  }
0x26: {  	[tilespmem:$0x1050] =	vst v1  }
0x27: {  	[tilespmem:$0x1060] =	vst v1  }
0x28: {  	[tilespmem:$0x1070] =	vst v1;
	s12 =	simm.s32 $0x0  }
0x29: {  	[tilespmem:s12], [sflag:$0x1] =	stream.linear.gather [hbm4b:s4+s12], $0x1000, $0x38;
	[tilespmem:$0x3080] =	vst v63  }
0x2a: {  	_ =	swait.ge [sflag:s8], $0x1000  }
0x2b: {  	[sflag:s8] =	ssyncset.done $0x0  }
0x2c: {  	s31 =	simm.s32 $0x0;
	[sflag:s8] =	ssyncadd.s32 $0xFFFFF000  }
0x2d: {  	[spmem:s1] =	stream.indirect.scatter.add.f32 [tilespmem:s10], [sflag:$0x1], $0x1, s31, s9, $0xb8;
	[tilespmem:$0x3080] =	vst v63  }
0x2e: {  	_ =	swait.ge [sflag:s8], $0x80  }
0x2f: {  	s12 =	simm.s32 $0x200;
	[sflag:s8] =	ssyncset.done $0x0  }
.LBB2_5:
0x30: {  	s13 =	sshra.s32 s12, $0x2;
	[sflag:s8] =	ssyncadd.s32 $0xFFFFFF80;
	p1 =	sne.s32 s12, $0x3E00  }
0x31: {  	[spmem:s1] =	stream.indirect.scatter.add.f32 [tilespmem:s10], [sflag:$0x1], $0x1, s13, s9, $0xb8;
	[tilespmem:$0x3080] =	vst v63  }
.Ltmp4:
0x32: {  	_ = 	snop;
	(pc) =	sbr.rel @p1 .LBB2_5-.Ltmp4, $4  }
0x33: {  	_ = 	snop  }
0x34: {  	s12 =	sadd.s32 $0x200, s12  }
0x35: {  	_ =	swait.ge [sflag:s8], $0x80  }
0x36: {  	[sflag:s8] =	ssyncset.done $0x0  }
.Ltmp5:
0x37: {  	_ = 	snop;
	(pc) =	sbr.rel .LBB2_6-.Ltmp5, $1  }
0x38: {  	_ =	sdelay $0x3  }
.LBB2_8:
0x39: {  	_ =	sfence.sel $0x180000  }
0x3a: {  	[bflag:$0x0] =	sbarrier.arrive $0xFFFF  }
0x3b: {  	_ =	strace $0x90000047  }
0x3c: {  	s0 =	sadd.s32 @!p0 $0x100000, s0;
	[bflag:$0x2] =	sbarrier.arrive $0xFFFF  }
0x3d: {  	[sflag:s0] =	ssyncadd.tile.s32 @!p0 $0x1;
	_ =	shalt  }
.Lfunc_end2:
_tile_overlayer_lowered:
.L_overlay_start_2:
0x3e: {  	(tag) =	ssettag $0x2  }
0x3f: {  	s0 =	rddreg [dreg:$0x0];
	s2 =	stileid.u32  }
0x40: {  	s1 =	rddreg [dreg:$0x1];
	p0 =	sne.s32 s2, $0x0  }
0x41: {  	s3 =	rddreg [dreg:$0x2];
	[bflag:$0x3] =	sbarrier.arrive $0xFFFF;
	s2 =	simm.s32 @!p0 $0x1C01  }
0x42: {  	[timem:s3], [sflag:s2] =	dma.local @!p0 [hbm:s0], s1  }
0x43: {  	s0 =	simm.s32 @!p0 $0x1  }
0x44: {  	_ =	swait.ge @!p0 [sflag:s0], s1  }
0x45: {  	s1 =	ssub.s32 @!p0 $0x0, s1;
	[sflag:s0] =	ssyncset.done @!p0 $0x0  }
0x46: {  	[sflag:s0] =	ssyncadd.s32 @!p0 s1  }
0x47: {  	[bflag:$0x3] =	sbarrier.arrive $0xFFFF  }
0x48: {  	_ =	shalt  }

</sc_bundles>
